<compile_context>
chip_gen: v7x
topology: tpu7x:2x2x1
jax: 0.10.2.dev20260603
libtpu: 0.0.44.dev20260713+nightly
codegen_flags: <defaults>
</compile_context>

<pallas_src>
import functools

import jax
import jax.numpy as jnp
from jax import lax
from jax.experimental import pallas as pl
from jax.experimental.pallas import tpu as pltpu
from jax.experimental.pallas import tpu_sc as plsc

S = 8192
H = 768
E = 64
F = 1536
TB = 256
T = 128
NB = S // T + E
NPAD = NB * T

NW = 32
ROWS_W = S // NW
CHUNK = 64


def _router_body(x_ref, gw_ref, eid_ref, rank_ref, cnt_ref):
    i = pl.program_id(0)

    @pl.when(i == 0)
    def _():
        cnt_ref[...] = jnp.zeros((8, 128), jnp.int32)

    logits = jnp.dot(x_ref[...], gw_ref[...], preferred_element_type=jnp.float32)
    mx = jnp.max(logits, axis=1, keepdims=True)
    lane = lax.broadcasted_iota(jnp.int32, (TB, E), 1)
    eid = jnp.min(jnp.where(logits == mx, lane, E), axis=1, keepdims=True)
    oh = jnp.where(eid == lane, 1.0, 0.0)
    r0 = lax.broadcasted_iota(jnp.int32, (TB, TB), 0)
    r1 = lax.broadcasted_iota(jnp.int32, (TB, TB), 1)
    tril = jnp.where(r1 < r0, 1.0, 0.0)
    excl = jnp.dot(tril, oh, preferred_element_type=jnp.float32)
    prior = cnt_ref[0:1, 0:E].astype(jnp.float32)
    rank = jnp.sum(oh * (excl + prior), axis=1, keepdims=True)
    cnt_ref[0:1, 0:E] = (prior + jnp.sum(oh, axis=0, keepdims=True)).astype(jnp.int32)
    eid_ref[0] = eid
    rank_ref[0] = rank.astype(jnp.int32)


def _bin_body(cnt_ref, eid_ref, rank_ref, pos_ref, meta_ref):
    i = pl.program_id(0)
    cnt = cnt_ref[0:1, :]
    padded = ((cnt + (T - 1)) // T) * T
    padf = padded.astype(jnp.float32)
    r0 = lax.broadcasted_iota(jnp.int32, (128, 128), 0)
    r1 = lax.broadcasted_iota(jnp.int32, (128, 128), 1)
    incl = jnp.where(r0 <= r1, 1.0, 0.0)
    cum = jnp.dot(padf, incl, preferred_element_type=jnp.float32)
    poff = cum - padf

    lane = lax.broadcasted_iota(jnp.int32, (TB, E), 1)
    oh = eid_ref[0] == lane
    posf = jnp.sum(jnp.where(oh, poff[0:1, 0:E], 0.0), axis=1, keepdims=True)
    pos_ref[0] = posf.astype(jnp.int32) + rank_ref[0]

    @pl.when(i == 0)
    def _():
        total = cum[0:1, 127:128]
        eye = jnp.where(r0 == r1, 1.0, 0.0)
        cum_col = lax.dot_general(eye, cum, (((1,), (1,)), ((), ())),
                                  preferred_element_type=jnp.float32)
        jblk = lax.broadcasted_iota(jnp.int32, (1, 128), 1).astype(jnp.float32)
        bstart = jblk * float(T)
        s = jnp.minimum(bstart, total - float(T))
        eob = jnp.sum(jnp.where(cum_col <= s, 1.0, 0.0), axis=0, keepdims=True)
        nblk = total * (1.0 / float(T))
        rowblk = jnp.minimum(jblk, nblk - 1.0)
        meta_ref[0:1, :] = eob.astype(jnp.int32)
        meta_ref[1:2, :] = rowblk.astype(jnp.int32)
        meta_ref[2:3, :] = jnp.broadcast_to(nblk.astype(jnp.int32), (1, 128))


def _ffn_body(rb_ref, eb_ref, nu_ref, x_ref, w1_ref, w2_ref, o_ref):
    del rb_ref, eb_ref

    @pl.when(pl.program_id(0) < nu_ref[0])
    def _():
        h = jnp.maximum(
            jnp.dot(x_ref[...], w1_ref[0], preferred_element_type=jnp.float32), 0.0)
        o_ref[...] = jnp.dot(h, w2_ref[0], preferred_element_type=jnp.float32)


def _dispatch_body(flat_hbm, pos_hbm, xs_hbm, idx_v, rows_v,
                   sin0, sin1, sidx0, sidx1, sout0, sout1):
    wid = lax.axis_index("s") * 2 + lax.axis_index("c")
    base = wid * ROWS_W
    nch = ROWS_W // CHUNK
    sin, sidx, sout = (sin0, sin1), (sidx0, sidx1), (sout0, sout1)
    din, didx, dout = [None, None], [None, None], [None, None]

    def start_load(c):
        b = c % 2
        if dout[b] is not None:
            dout[b].wait()
        off = base + c * CHUNK
        din[b] = pltpu.async_copy(flat_hbm.at[pl.ds(off, CHUNK)], rows_v.at[b], sin[b])
        didx[b] = pltpu.async_copy(pos_hbm.at[pl.ds(off, CHUNK)], idx_v.at[b], sidx[b])

    start_load(0)
    for c in range(nch):
        b = c % 2
        if c + 1 < nch:
            start_load(c + 1)
        din[b].wait()
        didx[b].wait()
        dout[b] = pltpu.async_copy(rows_v.at[b], xs_hbm.at[idx_v.at[b]], sout[b])
    for b in range(2):
        if dout[b] is not None:
            dout[b].wait()


def _combine_body(ys_hbm, pos_hbm, out_hbm, idx_v, rows_v,
                  sin0, sin1, sidx0, sidx1, sout0, sout1):
    wid = lax.axis_index("s") * 2 + lax.axis_index("c")
    base = wid * ROWS_W
    nch = ROWS_W // CHUNK
    sin, sidx, sout = (sin0, sin1), (sidx0, sidx1), (sout0, sout1)
    din, didx, dout = [None, None], [None, None], [None, None]

    def start_gather(c):
        b = c % 2
        if dout[b] is not None:
            dout[b].wait()
        off = base + c * CHUNK
        didx[b] = pltpu.async_copy(pos_hbm.at[pl.ds(off, CHUNK)], idx_v.at[b], sidx[b])
        didx[b].wait()
        din[b] = pltpu.async_copy(ys_hbm.at[idx_v.at[b]], rows_v.at[b], sin[b])

    start_gather(0)
    for c in range(nch):
        b = c % 2
        if c + 1 < nch:
            start_gather(c + 1)
        din[b].wait()
        off = base + c * CHUNK
        dout[b] = pltpu.async_copy(rows_v.at[b], out_hbm.at[pl.ds(off, CHUNK)], sout[b])
    for b in range(2):
        if dout[b] is not None:
            dout[b].wait()


def _sc_scratch():
    return [
        pltpu.VMEM((2, CHUNK), jnp.int32),
        pltpu.VMEM((2, CHUNK, H), jnp.float32),
    ] + [pltpu.SemaphoreType.DMA] * 6


@functools.cache
def _get_dispatch():
    mesh = plsc.VectorSubcoreMesh(core_axis_name="c", subcore_axis_name="s")
    return pl.kernel(
        _dispatch_body,
        out_type=jax.ShapeDtypeStruct((NPAD, H), jnp.float32),
        mesh=mesh,
        scratch_types=_sc_scratch(),
    )


@functools.cache
def _get_combine():
    mesh = plsc.VectorSubcoreMesh(core_axis_name="c", subcore_axis_name="s")
    return pl.kernel(
        _combine_body,
        out_type=jax.ShapeDtypeStruct((S, H), jnp.float32),
        mesh=mesh,
        scratch_types=_sc_scratch(),
    )


def kernel(hidden_states, gate_w, w1, w2):
    b, s, h = hidden_states.shape
    flat = hidden_states.reshape(s, h)

    eid, rank, counts = pl.pallas_call(
        _router_body,
        grid=(S // TB,),
        in_specs=[
            pl.BlockSpec((TB, H), lambda i: (i, 0)),
            pl.BlockSpec((H, E), lambda i: (0, 0)),
        ],
        out_specs=[
            pl.BlockSpec((1, TB, 1), lambda i: (i, 0, 0)),
            pl.BlockSpec((1, TB, 1), lambda i: (i, 0, 0)),
            pl.BlockSpec((8, 128), lambda i: (0, 0)),
        ],
        out_shape=[
            jax.ShapeDtypeStruct((S // TB, TB, 1), jnp.int32),
            jax.ShapeDtypeStruct((S // TB, TB, 1), jnp.int32),
            jax.ShapeDtypeStruct((8, 128), jnp.int32),
        ],
    )(flat, gate_w)

    pos, meta = pl.pallas_call(
        _bin_body,
        grid=(S // TB,),
        in_specs=[
            pl.BlockSpec((8, 128), lambda i: (0, 0)),
            pl.BlockSpec((1, TB, 1), lambda i: (i, 0, 0)),
            pl.BlockSpec((1, TB, 1), lambda i: (i, 0, 0)),
        ],
        out_specs=[
            pl.BlockSpec((1, TB, 1), lambda i: (i, 0, 0)),
            pl.BlockSpec((8, 128), lambda i: (0, 0)),
        ],
        out_shape=[
            jax.ShapeDtypeStruct((S // TB, TB, 1), jnp.int32),
            jax.ShapeDtypeStruct((8, 128), jnp.int32),
        ],
    )(counts, eid, rank)

    pos_flat = pos.reshape(s)
    eob = meta[0, :NB]
    rowblk = meta[1, :NB]
    nused = meta[2, :1]

    xs = _get_dispatch()(flat, pos_flat)

    ys = pl.pallas_call(
        _ffn_body,
        grid_spec=pltpu.PrefetchScalarGridSpec(
            num_scalar_prefetch=3,
            grid=(NB,),
            in_specs=[
                pl.BlockSpec((T, H), lambda i, rb, eb, nu: (rb[i], 0)),
                pl.BlockSpec((1, H, F), lambda i, rb, eb, nu: (eb[i], 0, 0)),
                pl.BlockSpec((1, F, H), lambda i, rb, eb, nu: (eb[i], 0, 0)),
            ],
            out_specs=pl.BlockSpec((T, H), lambda i, rb, eb, nu: (rb[i], 0)),
        ),
        out_shape=jax.ShapeDtypeStruct((NPAD, H), jnp.float32),
    )(rowblk, eob, nused, xs, w1, w2)

    out = _get_combine()(ys, pos_flat)
    return out.reshape(b, s, h)

# --- scband reference (transcript-rebuilt; emitter-appended) ---
"""Pipeline reference for scband-expert-parallel-wrapper-42606075577078 (READ-ONLY COPY).

The authoritative reference and input builder live on the scoring server;
editing this copy changes nothing except your own understanding.
"""

import jax, jax.numpy as jnp
import numpy as np

B, S, H = 1, 8192, 768
E, TOP_K, F = 64, 1, 1536


def setup_inputs(seed: int = 0) -> dict:
    key = jax.random.key(seed)
    k1, k2, k3, k4 = jax.random.split(key, 4)
    hidden_states = jax.random.normal(k1, (B, S, H), dtype=jnp.float32)
    gate_w = jax.random.normal(k2, (H, E), dtype=jnp.float32) * 0.02
    w1 = jax.random.normal(k3, (E, H, F), dtype=jnp.float32) * 0.02
    w2 = jax.random.normal(k4, (E, F, H), dtype=jnp.float32) * 0.02
    return {"hidden_states": hidden_states, "gate_w": gate_w, "w1": w1, "w2": w2}


def reference(hidden_states, gate_w, w1, w2):
    # Math-faithful single-device version of the expert-parallel MoE forward.
    # All-to-all dispatch/combine is an identity permutation mathematically,
    # so we reproduce: gate -> softmax -> top-k -> renormalize -> per-expert
    # FFN on the tokens routed to that expert -> weighted scatter-add combine.
    b, s, h = hidden_states.shape
    flat = hidden_states.reshape(-1, h)
    router_logits = flat @ gate_w
    routing_weights = jax.nn.softmax(router_logits, axis=-1)
    topk_weights, topk_indices = jax.lax.top_k(routing_weights, TOP_K)
    topk_weights = topk_weights / jnp.sum(topk_weights, axis=-1, keepdims=True)
    num_experts = gate_w.shape[-1]
    out = jnp.zeros_like(flat)
    for e in range(num_experts):
        mask = topk_indices == e
        w = jnp.sum(jnp.where(mask, topk_weights, 0.0), axis=-1, keepdims=True)
        y = jnp.maximum(flat @ w1[e], 0.0) @ w2[e]  # local expert FFN
        out = out + y * w  # masked weighted combine
    return out.reshape(b, s, h)

if __name__ == "__main__":
    import jax
    _d = setup_inputs()
    print(jax.jit(kernel)(*tuple(_d.values())))

</pallas_src>

<mosaic_0001>
#map = affine_map<(d0, d1) -> (0, 0)>
#map1 = affine_map<(d0, d1) -> (0)>
module attributes {stable_mosaic.version = 14 : i64} {
  func.func @_dispatch_body(%arg0: i32, %arg1: i32, %arg2: memref<8192x768xf32, #tpu.memory_space<hbm>>, %arg3: memref<8192xi32, #tpu.memory_space<hbm>>, %arg4: memref<16384x768xf32, #tpu.memory_space<hbm>>, %arg5: memref<2x64xi32, #tpu.memory_space<vmem>>, %arg6: memref<2x64x768xf32, #tpu.memory_space<vmem>>, %arg7: memref<!tpu.dma_semaphore, #tpu.memory_space<semaphore_mem>>, %arg8: memref<!tpu.dma_semaphore, #tpu.memory_space<semaphore_mem>>, %arg9: memref<!tpu.dma_semaphore, #tpu.memory_space<semaphore_mem>>, %arg10: memref<!tpu.dma_semaphore, #tpu.memory_space<semaphore_mem>>, %arg11: memref<!tpu.dma_semaphore, #tpu.memory_space<semaphore_mem>>, %arg12: memref<!tpu.dma_semaphore, #tpu.memory_space<semaphore_mem>>) attributes {dimension_semantics = [#tpu.dimension_semantics<core_parallel>, #tpu.dimension_semantics<subcore_parallel>], iteration_bounds = array<i64: 2, 16>, scalar_prefetch = 0 : i64, scratch_operands = 8 : i64, tpu.core_type = #tpu.core_type<sc_vector_subcore>, window_params = [{transform_indices = #map}, {transform_indices = #map1}, {transform_indices = #map}]} {
    %mul3A = arith.constant 2 : i32
    %mul3A_0 = arith.muli %arg1, %mul3A : i32
    %add3A = arith.addi %mul3A_0, %arg0 : i32
    %mul3A_1 = arith.constant 256 : i32
    %mul3A_2 = arith.muli %add3A, %mul3A_1 : i32
    %add3A_3 = arith.constant 0 : i32
    %add3A_4 = arith.addi %mul3A_2, %add3A_3 : i32
    %dma_start3A = arith.constant 0 : i32
    %dma_start3A_5 = arith.constant 0 : i32
    %dma_start3A_6 = arith.constant 0 : i32
    %dma_start3A_7 = tpu.memref_slice %arg6[%dma_start3A, %dma_start3A_5, %dma_start3A_6] : memref<2x64x768xf32, #tpu.memory_space<vmem>> -> memref<1x64x768xf32, #tpu.memory_space<vmem>>
    %dma_start3A_8 = tpu.memref_squeeze %dma_start3A_7 : memref<1x64x768xf32, #tpu.memory_space<vmem>> -> memref<64x768xf32, #tpu.memory_space<vmem>>
    %dma_start3A_9 = arith.constant 0 : i32
    %dma_start3A_10 = tpu.memref_slice %arg2[%add3A_4, %dma_start3A_9] : memref<8192x768xf32, #tpu.memory_space<hbm>> -> memref<64x768xf32, #tpu.memory_space<hbm>>
    %dma_start3A_11 = arith.constant 0 : i32
    %dma_start3A_12 = arith.constant 0 : i32
    %dma_start3A_13 = tpu.memref_slice %arg6[%dma_start3A, %dma_start3A_11, %dma_start3A_12] : memref<2x64x768xf32, #tpu.memory_space<vmem>> -> memref<1x64x768xf32, #tpu.memory_space<vmem>>
    %dma_start3A_14 = tpu.memref_squeeze %dma_start3A_13 : memref<1x64x768xf32, #tpu.memory_space<vmem>> -> memref<64x768xf32, #tpu.memory_space<vmem>>
    %dma_start3A_15 = arith.constant 0 : i32
    %dma_start3A_16 = tpu.memref_slice %arg2[%add3A_4, %dma_start3A_15] : memref<8192x768xf32, #tpu.memory_space<hbm>> -> memref<64x768xf32, #tpu.memory_space<hbm>>
    tpu.enqueue_dma source(%dma_start3A_16 : memref<64x768xf32, #tpu.memory_space<hbm>>) target(%dma_start3A_14 : memref<64x768xf32, #tpu.memory_space<vmem>>) target_semaphore(%arg7 : memref<!tpu.dma_semaphore, #tpu.memory_space<semaphore_mem>>)
    %dma_start3A_17 = arith.constant 0 : i32
    %dma_start3A_18 = arith.constant 0 : i32
    %dma_start3A_19 = tpu.memref_slice %arg5[%dma_start3A_17, %dma_start3A_18] : memref<2x64xi32, #tpu.memory_space<vmem>> -> memref<1x64xi32, #tpu.memory_space<vmem>>
    %dma_start3A_20 = tpu.memref_squeeze %dma_start3A_19 : memref<1x64xi32, #tpu.memory_space<vmem>> -> memref<64xi32, #tpu.memory_space<vmem>>
    %dma_start3A_21 = tpu.memref_slice %arg3[%add3A_4] : memref<8192xi32, #tpu.memory_space<hbm>> -> memref<64xi32, #tpu.memory_space<hbm>>
    %dma_start3A_22 = arith.constant 0 : i32
    %dma_start3A_23 = tpu.memref_slice %arg5[%dma_start3A_17, %dma_start3A_22] : memref<2x64xi32, #tpu.memory_space<vmem>> -> memref<1x64xi32, #tpu.memory_space<vmem>>
    %dma_start3A_24 = tpu.memref_squeeze %dma_start3A_23 : memref<1x64xi32, #tpu.memory_space<vmem>> -> memref<64xi32, #tpu.memory_space<vmem>>
    %dma_start3A_25 = tpu.memref_slice %arg3[%add3A_4] : memref<8192xi32, #tpu.memory_space<hbm>> -> memref<64xi32, #tpu.memory_space<hbm>>
    tpu.enqueue_dma source(%dma_start3A_25 : memref<64xi32, #tpu.memory_space<hbm>>) target(%dma_start3A_24 : memref<64xi32, #tpu.memory_space<vmem>>) target_semaphore(%arg9 : memref<!tpu.dma_semaphore, #tpu.memory_space<semaphore_mem>>)
    %add3A_26 = arith.constant 64 : i32
    %add3A_27 = arith.addi %mul3A_2, %add3A_26 : i32
    %dma_start3A_28 = arith.constant 1 : i32
    %dma_start3A_29 = arith.constant 0 : i32
    %dma_start3A_30 = arith.constant 0 : i32
    %dma_start3A_31 = tpu.memref_slice %arg6[%dma_start3A_28, %dma_start3A_29, %dma_start3A_30] : memref<2x64x768xf32, #tpu.memory_space<vmem>> -> memref<1x64x768xf32, #tpu.memory_space<vmem>>
    %dma_start3A_32 = tpu.memref_squeeze %dma_start3A_31 : memref<1x64x768xf32, #tpu.memory_space<vmem>> -> memref<64x768xf32, #tpu.memory_space<vmem>>
    %dma_start3A_33 = arith.constant 0 : i32
    %dma_start3A_34 = tpu.memref_slice %arg2[%add3A_27, %dma_start3A_33] : memref<8192x768xf32, #tpu.memory_space<hbm>> -> memref<64x768xf32, #tpu.memory_space<hbm>>
    %dma_start3A_35 = arith.constant 0 : i32
    %dma_start3A_36 = arith.constant 0 : i32
    %dma_start3A_37 = tpu.memref_slice %arg6[%dma_start3A_28, %dma_start3A_35, %dma_start3A_36] : memref<2x64x768xf32, #tpu.memory_space<vmem>> -> memref<1x64x768xf32, #tpu.memory_space<vmem>>
    %dma_start3A_38 = tpu.memref_squeeze %dma_start3A_37 : memref<1x64x768xf32, #tpu.memory_space<vmem>> -> memref<64x768xf32, #tpu.memory_space<vmem>>
    %dma_start3A_39 = arith.constant 0 : i32
    %dma_start3A_40 = tpu.memref_slice %arg2[%add3A_27, %dma_start3A_39] : memref<8192x768xf32, #tpu.memory_space<hbm>> -> memref<64x768xf32, #tpu.memory_space<hbm>>
    tpu.enqueue_dma source(%dma_start3A_40 : memref<64x768xf32, #tpu.memory_space<hbm>>) target(%dma_start3A_38 : memref<64x768xf32, #tpu.memory_space<vmem>>) target_semaphore(%arg8 : memref<!tpu.dma_semaphore, #tpu.memory_space<semaphore_mem>>)
    %dma_start3A_41 = arith.constant 1 : i32
    %dma_start3A_42 = arith.constant 0 : i32
    %dma_start3A_43 = tpu.memref_slice %arg5[%dma_start3A_41, %dma_start3A_42] : memref<2x64xi32, #tpu.memory_space<vmem>> -> memref<1x64xi32, #tpu.memory_space<vmem>>
    %dma_start3A_44 = tpu.memref_squeeze %dma_start3A_43 : memref<1x64xi32, #tpu.memory_space<vmem>> -> memref<64xi32, #tpu.memory_space<vmem>>
    %dma_start3A_45 = tpu.memref_slice %arg3[%add3A_27] : memref<8192xi32, #tpu.memory_space<hbm>> -> memref<64xi32, #tpu.memory_space<hbm>>
    %dma_start3A_46 = arith.constant 0 : i32
    %dma_start3A_47 = tpu.memref_slice %arg5[%dma_start3A_41, %dma_start3A_46] : memref<2x64xi32, #tpu.memory_space<vmem>> -> memref<1x64xi32, #tpu.memory_space<vmem>>
    %dma_start3A_48 = tpu.memref_squeeze %dma_start3A_47 : memref<1x64xi32, #tpu.memory_space<vmem>> -> memref<64xi32, #tpu.memory_space<vmem>>
    %dma_start3A_49 = tpu.memref_slice %arg3[%add3A_27] : memref<8192xi32, #tpu.memory_space<hbm>> -> memref<64xi32, #tpu.memory_space<hbm>>
    tpu.enqueue_dma source(%dma_start3A_49 : memref<64xi32, #tpu.memory_space<hbm>>) target(%dma_start3A_48 : memref<64xi32, #tpu.memory_space<vmem>>) target_semaphore(%arg10 : memref<!tpu.dma_semaphore, #tpu.memory_space<semaphore_mem>>)
    %dma_wait3A = arith.constant 0 : i32
    %dma_wait3A_50 = arith.constant 0 : i32
    %dma_wait3A_51 = arith.constant 0 : i32
    %dma_wait3A_52 = tpu.memref_slice %arg6[%dma_wait3A, %dma_wait3A_50, %dma_wait3A_51] : memref<2x64x768xf32, #tpu.memory_space<vmem>> -> memref<1x64x768xf32, #tpu.memory_space<vmem>>
    %dma_wait3A_53 = tpu.memref_squeeze %dma_wait3A_52 : memref<1x64x768xf32, #tpu.memory_space<vmem>> -> memref<64x768xf32, #tpu.memory_space<vmem>>
    %dma_wait3A_54 = arith.constant 0 : i32
    %dma_wait3A_55 = tpu.memref_slice %arg2[%add3A_4, %dma_wait3A_54] : memref<8192x768xf32, #tpu.memory_space<hbm>> -> memref<64x768xf32, #tpu.memory_space<hbm>>
    %dma_wait3A_56 = arith.constant 0 : i32
    %dma_wait3A_57 = arith.constant 0 : i32
    %dma_wait3A_58 = tpu.memref_slice %arg6[%dma_wait3A, %dma_wait3A_56, %dma_wait3A_57] : memref<2x64x768xf32, #tpu.memory_space<vmem>> -> memref<1x64x768xf32, #tpu.memory_space<vmem>>
    %dma_wait3A_59 = tpu.memref_squeeze %dma_wait3A_58 : memref<1x64x768xf32, #tpu.memory_space<vmem>> -> memref<64x768xf32, #tpu.memory_space<vmem>>
    %dma_wait3A_60 = arith.constant 0 : i32
    %dma_wait3A_61 = tpu.memref_slice %arg2[%add3A_4, %dma_wait3A_60] : memref<8192x768xf32, #tpu.memory_space<hbm>> -> memref<64x768xf32, #tpu.memory_space<hbm>>
    tpu.wait_dma2 semaphore(%arg7 : memref<!tpu.dma_semaphore, #tpu.memory_space<semaphore_mem>>) src(%dma_wait3A_61 : memref<64x768xf32, #tpu.memory_space<hbm>>) dst(%dma_wait3A_59 : memref<64x768xf32, #tpu.memory_space<vmem>>)
    %dma_wait3A_62 = arith.constant 0 : i32
    %dma_wait3A_63 = arith.constant 0 : i32
    %dma_wait3A_64 = tpu.memref_slice %arg5[%dma_wait3A_62, %dma_wait3A_63] : memref<2x64xi32, #tpu.memory_space<vmem>> -> memref<1x64xi32, #tpu.memory_space<vmem>>
    %dma_wait3A_65 = tpu.memref_squeeze %dma_wait3A_64 : memref<1x64xi32, #tpu.memory_space<vmem>> -> memref<64xi32, #tpu.memory_space<vmem>>
    %dma_wait3A_66 = tpu.memref_slice %arg3[%add3A_4] : memref<8192xi32, #tpu.memory_space<hbm>> -> memref<64xi32, #tpu.memory_space<hbm>>
    %dma_wait3A_67 = arith.constant 0 : i32
    %dma_wait3A_68 = tpu.memref_slice %arg5[%dma_wait3A_62, %dma_wait3A_67] : memref<2x64xi32, #tpu.memory_space<vmem>> -> memref<1x64xi32, #tpu.memory_space<vmem>>
    %dma_wait3A_69 = tpu.memref_squeeze %dma_wait3A_68 : memref<1x64xi32, #tpu.memory_space<vmem>> -> memref<64xi32, #tpu.memory_space<vmem>>
    %dma_wait3A_70 = tpu.memref_slice %arg3[%add3A_4] : memref<8192xi32, #tpu.memory_space<hbm>> -> memref<64xi32, #tpu.memory_space<hbm>>
    tpu.wait_dma2 semaphore(%arg9 : memref<!tpu.dma_semaphore, #tpu.memory_space<semaphore_mem>>) src(%dma_wait3A_70 : memref<64xi32, #tpu.memory_space<hbm>>) dst(%dma_wait3A_69 : memref<64xi32, #tpu.memory_space<vmem>>)
    %dma_start3A_71 = arith.constant 0 : i32
    %dma_start3A_72 = arith.constant 0 : i32
    %dma_start3A_73 = arith.constant 0 : i32
    %dma_start3A_74 = arith.constant 0 : i32
    %dma_start3A_75 = tpu.memref_slice %arg6[%dma_start3A_71, %dma_start3A_73, %dma_start3A_74] : memref<2x64x768xf32, #tpu.memory_space<vmem>> -> memref<1x64x768xf32, #tpu.memory_space<vmem>>
    %dma_start3A_76 = tpu.memref_squeeze %dma_start3A_75 : memref<1x64x768xf32, #tpu.memory_space<vmem>> -> memref<64x768xf32, #tpu.memory_space<vmem>>
    %dma_start3A_77 = arith.constant 0 : i32
    %dma_start3A_78 = tpu.memref_slice %arg5[%dma_start3A_72, %dma_start3A_77] : memref<2x64xi32, #tpu.memory_space<vmem>> -> memref<1x64xi32, #tpu.memory_space<vmem>>
    %dma_start3A_79 = tpu.memref_squeeze %dma_start3A_78 : memref<1x64xi32, #tpu.memory_space<vmem>> -> memref<64xi32, #tpu.memory_space<vmem>>
    %dma_start3A_80 = arith.constant 0 : i32
    %dma_start3A_81 = arith.constant 0 : i32
    %dma_start3A_82 = tpu.memref_slice %arg4[%dma_start3A_80, %dma_start3A_81] : memref<16384x768xf32, #tpu.memory_space<hbm>> -> memref<16384x768xf32, #tpu.memory_space<hbm>>
    tpu.enqueue_indirect_dma source(%dma_start3A_76 : memref<64x768xf32, #tpu.memory_space<vmem>>) target(%dma_start3A_82 : memref<16384x768xf32, #tpu.memory_space<hbm>>) offsets(%dma_start3A_79 : memref<64xi32, #tpu.memory_space<vmem>>) semaphore(%arg11 : memref<!tpu.dma_semaphore, #tpu.memory_space<semaphore_mem>>)
    %dma_wait3A_83 = arith.constant 0 : i32
    %dma_wait3A_84 = arith.constant 0 : i32
    %dma_wait3A_85 = arith.constant 0 : i32
    %dma_wait3A_86 = arith.constant 0 : i32
    %dma_wait3A_87 = tpu.memref_slice %arg6[%dma_wait3A_83, %dma_wait3A_85, %dma_wait3A_86] : memref<2x64x768xf32, #tpu.memory_space<vmem>> -> memref<1x64x768xf32, #tpu.memory_space<vmem>>
    %dma_wait3A_88 = tpu.memref_squeeze %dma_wait3A_87 : memref<1x64x768xf32, #tpu.memory_space<vmem>> -> memref<64x768xf32, #tpu.memory_space<vmem>>
    %dma_wait3A_89 = arith.constant 0 : i32
    %dma_wait3A_90 = tpu.memref_slice %arg5[%dma_wait3A_84, %dma_wait3A_89] : memref<2x64xi32, #tpu.memory_space<vmem>> -> memref<1x64xi32, #tpu.memory_space<vmem>>
    %dma_wait3A_91 = tpu.memref_squeeze %dma_wait3A_90 : memref<1x64xi32, #tpu.memory_space<vmem>> -> memref<64xi32, #tpu.memory_space<vmem>>
    %dma_wait3A_92 = arith.constant 0 : i32
    %dma_wait3A_93 = arith.constant 0 : i32
    %dma_wait3A_94 = tpu.memref_slice %arg4[%dma_wait3A_92, %dma_wait3A_93] : memref<16384x768xf32, #tpu.memory_space<hbm>> -> memref<16384x768xf32, #tpu.memory_space<hbm>>
    tpu.wait_indirect_dma semaphore(%arg11 : memref<!tpu.dma_semaphore, #tpu.memory_space<semaphore_mem>>) src(%dma_wait3A_88 : memref<64x768xf32, #tpu.memory_space<vmem>>) dst(%dma_wait3A_94 : memref<16384x768xf32, #tpu.memory_space<hbm>>)
    %add3A_95 = arith.constant 128 : i32
    %add3A_96 = arith.addi %mul3A_2, %add3A_95 : i32
    %dma_start3A_97 = arith.constant 0 : i32
    %dma_start3A_98 = arith.constant 0 : i32
    %dma_start3A_99 = arith.constant 0 : i32
    %dma_start3A_100 = tpu.memref_slice %arg6[%dma_start3A_97, %dma_start3A_98, %dma_start3A_99] : memref<2x64x768xf32, #tpu.memory_space<vmem>> -> memref<1x64x768xf32, #tpu.memory_space<vmem>>
    %dma_start3A_101 = tpu.memref_squeeze %dma_start3A_100 : memref<1x64x768xf32, #tpu.memory_space<vmem>> -> memref<64x768xf32, #tpu.memory_space<vmem>>
    %dma_start3A_102 = arith.constant 0 : i32
    %dma_start3A_103 = tpu.memref_slice %arg2[%add3A_96, %dma_start3A_102] : memref<8192x768xf32, #tpu.memory_space<hbm>> -> memref<64x768xf32, #tpu.memory_space<hbm>>
    %dma_start3A_104 = arith.constant 0 : i32
    %dma_start3A_105 = arith.constant 0 : i32
    %dma_start3A_106 = tpu.memref_slice %arg6[%dma_start3A_97, %dma_start3A_104, %dma_start3A_105] : memref<2x64x768xf32, #tpu.memory_space<vmem>> -> memref<1x64x768xf32, #tpu.memory_space<vmem>>
    %dma_start3A_107 = tpu.memref_squeeze %dma_start3A_106 : memref<1x64x768xf32, #tpu.memory_space<vmem>> -> memref<64x768xf32, #tpu.memory_space<vmem>>
    %dma_start3A_108 = arith.constant 0 : i32
    %dma_start3A_109 = tpu.memref_slice %arg2[%add3A_96, %dma_start3A_108] : memref<8192x768xf32, #tpu.memory_space<hbm>> -> memref<64x768xf32, #tpu.memory_space<hbm>>
    tpu.enqueue_dma source(%dma_start3A_109 : memref<64x768xf32, #tpu.memory_space<hbm>>) target(%dma_start3A_107 : memref<64x768xf32, #tpu.memory_space<vmem>>) target_semaphore(%arg7 : memref<!tpu.dma_semaphore, #tpu.memory_space<semaphore_mem>>)
    %dma_start3A_110 = arith.constant 0 : i32
    %dma_start3A_111 = arith.constant 0 : i32
    %dma_start3A_112 = tpu.memref_slice %arg5[%dma_start3A_110, %dma_start3A_111] : memref<2x64xi32, #tpu.memory_space<vmem>> -> memref<1x64xi32, #tpu.memory_space<vmem>>
    %dma_start3A_113 = tpu.memref_squeeze %dma_start3A_112 : memref<1x64xi32, #tpu.memory_space<vmem>> -> memref<64xi32, #tpu.memory_space<vmem>>
    %dma_start3A_114 = tpu.memref_slice %arg3[%add3A_96] : memref<8192xi32, #tpu.memory_space<hbm>> -> memref<64xi32, #tpu.memory_space<hbm>>
    %dma_start3A_115 = arith.constant 0 : i32
    %dma_start3A_116 = tpu.memref_slice %arg5[%dma_start3A_110, %dma_start3A_115] : memref<2x64xi32, #tpu.memory_space<vmem>> -> memref<1x64xi32, #tpu.memory_space<vmem>>
    %dma_start3A_117 = tpu.memref_squeeze %dma_start3A_116 : memref<1x64xi32, #tpu.memory_space<vmem>> -> memref<64xi32, #tpu.memory_space<vmem>>
    %dma_start3A_118 = tpu.memref_slice %arg3[%add3A_96] : memref<8192xi32, #tpu.memory_space<hbm>> -> memref<64xi32, #tpu.memory_space<hbm>>
    tpu.enqueue_dma source(%dma_start3A_118 : memref<64xi32, #tpu.memory_space<hbm>>) target(%dma_start3A_117 : memref<64xi32, #tpu.memory_space<vmem>>) target_semaphore(%arg9 : memref<!tpu.dma_semaphore, #tpu.memory_space<semaphore_mem>>)
    %dma_wait3A_119 = arith.constant 1 : i32
    %dma_wait3A_120 = arith.constant 0 : i32
    %dma_wait3A_121 = arith.constant 0 : i32
    %dma_wait3A_122 = tpu.memref_slice %arg6[%dma_wait3A_119, %dma_wait3A_120, %dma_wait3A_121] : memref<2x64x768xf32, #tpu.memory_space<vmem>> -> memref<1x64x768xf32, #tpu.memory_space<vmem>>
    %dma_wait3A_123 = tpu.memref_squeeze %dma_wait3A_122 : memref<1x64x768xf32, #tpu.memory_space<vmem>> -> memref<64x768xf32, #tpu.memory_space<vmem>>
    %dma_wait3A_124 = arith.constant 0 : i32
    %dma_wait3A_125 = tpu.memref_slice %arg2[%add3A_27, %dma_wait3A_124] : memref<8192x768xf32, #tpu.memory_space<hbm>> -> memref<64x768xf32, #tpu.memory_space<hbm>>
    %dma_wait3A_126 = arith.constant 0 : i32
    %dma_wait3A_127 = arith.constant 0 : i32
    %dma_wait3A_128 = tpu.memref_slice %arg6[%dma_wait3A_119, %dma_wait3A_126, %dma_wait3A_127] : memref<2x64x768xf32, #tpu.memory_space<vmem>> -> memref<1x64x768xf32, #tpu.memory_space<vmem>>
    %dma_wait3A_129 = tpu.memref_squeeze %dma_wait3A_128 : memref<1x64x768xf32, #tpu.memory_space<vmem>> -> memref<64x768xf32, #tpu.memory_space<vmem>>
    %dma_wait3A_130 = arith.constant 0 : i32
    %dma_wait3A_131 = tpu.memref_slice %arg2[%add3A_27, %dma_wait3A_130] : memref<8192x768xf32, #tpu.memory_space<hbm>> -> memref<64x768xf32, #tpu.memory_space<hbm>>
    tpu.wait_dma2 semaphore(%arg8 : memref<!tpu.dma_semaphore, #tpu.memory_space<semaphore_mem>>) src(%dma_wait3A_131 : memref<64x768xf32, #tpu.memory_space<hbm>>) dst(%dma_wait3A_129 : memref<64x768xf32, #tpu.memory_space<vmem>>)
    %dma_wait3A_132 = arith.constant 1 : i32
    %dma_wait3A_133 = arith.constant 0 : i32
    %dma_wait3A_134 = tpu.memref_slice %arg5[%dma_wait3A_132, %dma_wait3A_133] : memref<2x64xi32, #tpu.memory_space<vmem>> -> memref<1x64xi32, #tpu.memory_space<vmem>>
    %dma_wait3A_135 = tpu.memref_squeeze %dma_wait3A_134 : memref<1x64xi32, #tpu.memory_space<vmem>> -> memref<64xi32, #tpu.memory_space<vmem>>
    %dma_wait3A_136 = tpu.memref_slice %arg3[%add3A_27] : memref<8192xi32, #tpu.memory_space<hbm>> -> memref<64xi32, #tpu.memory_space<hbm>>
    %dma_wait3A_137 = arith.constant 0 : i32
    %dma_wait3A_138 = tpu.memref_slice %arg5[%dma_wait3A_132, %dma_wait3A_137] : memref<2x64xi32, #tpu.memory_space<vmem>> -> memref<1x64xi32, #tpu.memory_space<vmem>>
    %dma_wait3A_139 = tpu.memref_squeeze %dma_wait3A_138 : memref<1x64xi32, #tpu.memory_space<vmem>> -> memref<64xi32, #tpu.memory_space<vmem>>
    %dma_wait3A_140 = tpu.memref_slice %arg3[%add3A_27] : memref<8192xi32, #tpu.memory_space<hbm>> -> memref<64xi32, #tpu.memory_space<hbm>>
    tpu.wait_dma2 semaphore(%arg10 : memref<!tpu.dma_semaphore, #tpu.memory_space<semaphore_mem>>) src(%dma_wait3A_140 : memref<64xi32, #tpu.memory_space<hbm>>) dst(%dma_wait3A_139 : memref<64xi32, #tpu.memory_space<vmem>>)
    %dma_start3A_141 = arith.constant 1 : i32
    %dma_start3A_142 = arith.constant 1 : i32
    %dma_start3A_143 = arith.constant 0 : i32
    %dma_start3A_144 = arith.constant 0 : i32
    %dma_start3A_145 = tpu.memref_slice %arg6[%dma_start3A_141, %dma_start3A_143, %dma_start3A_144] : memref<2x64x768xf32, #tpu.memory_space<vmem>> -> memref<1x64x768xf32, #tpu.memory_space<vmem>>
    %dma_start3A_146 = tpu.memref_squeeze %dma_start3A_145 : memref<1x64x768xf32, #tpu.memory_space<vmem>> -> memref<64x768xf32, #tpu.memory_space<vmem>>
    %dma_start3A_147 = arith.constant 0 : i32
    %dma_start3A_148 = tpu.memref_slice %arg5[%dma_start3A_142, %dma_start3A_147] : memref<2x64xi32, #tpu.memory_space<vmem>> -> memref<1x64xi32, #tpu.memory_space<vmem>>
    %dma_start3A_149 = tpu.memref_squeeze %dma_start3A_148 : memref<1x64xi32, #tpu.memory_space<vmem>> -> memref<64xi32, #tpu.memory_space<vmem>>
    %dma_start3A_150 = arith.constant 0 : i32
    %dma_start3A_151 = arith.constant 0 : i32
    %dma_start3A_152 = tpu.memref_slice %arg4[%dma_start3A_150, %dma_start3A_151] : memref<16384x768xf32, #tpu.memory_space<hbm>> -> memref<16384x768xf32, #tpu.memory_space<hbm>>
    tpu.enqueue_indirect_dma source(%dma_start3A_146 : memref<64x768xf32, #tpu.memory_space<vmem>>) target(%dma_start3A_152 : memref<16384x768xf32, #tpu.memory_space<hbm>>) offsets(%dma_start3A_149 : memref<64xi32, #tpu.memory_space<vmem>>) semaphore(%arg12 : memref<!tpu.dma_semaphore, #tpu.memory_space<semaphore_mem>>)
    %dma_wait3A_153 = arith.constant 1 : i32
    %dma_wait3A_154 = arith.constant 1 : i32
    %dma_wait3A_155 = arith.constant 0 : i32
    %dma_wait3A_156 = arith.constant 0 : i32
    %dma_wait3A_157 = tpu.memref_slice %arg6[%dma_wait3A_153, %dma_wait3A_155, %dma_wait3A_156] : memref<2x64x768xf32, #tpu.memory_space<vmem>> -> memref<1x64x768xf32, #tpu.memory_space<vmem>>
    %dma_wait3A_158 = tpu.memref_squeeze %dma_wait3A_157 : memref<1x64x768xf32, #tpu.memory_space<vmem>> -> memref<64x768xf32, #tpu.memory_space<vmem>>
    %dma_wait3A_159 = arith.constant 0 : i32
    %dma_wait3A_160 = tpu.memref_slice %arg5[%dma_wait3A_154, %dma_wait3A_159] : memref<2x64xi32, #tpu.memory_space<vmem>> -> memref<1x64xi32, #tpu.memory_space<vmem>>
    %dma_wait3A_161 = tpu.memref_squeeze %dma_wait3A_160 : memref<1x64xi32, #tpu.memory_space<vmem>> -> memref<64xi32, #tpu.memory_space<vmem>>
    %dma_wait3A_162 = arith.constant 0 : i32
    %dma_wait3A_163 = arith.constant 0 : i32
    %dma_wait3A_164 = tpu.memref_slice %arg4[%dma_wait3A_162, %dma_wait3A_163] : memref<16384x768xf32, #tpu.memory_space<hbm>> -> memref<16384x768xf32, #tpu.memory_space<hbm>>
    tpu.wait_indirect_dma semaphore(%arg12 : memref<!tpu.dma_semaphore, #tpu.memory_space<semaphore_mem>>) src(%dma_wait3A_158 : memref<64x768xf32, #tpu.memory_space<vmem>>) dst(%dma_wait3A_164 : memref<16384x768xf32, #tpu.memory_space<hbm>>)
    %add3A_165 = arith.constant 192 : i32
    %add3A_166 = arith.addi %mul3A_2, %add3A_165 : i32
    %dma_start3A_167 = arith.constant 1 : i32
    %dma_start3A_168 = arith.constant 0 : i32
    %dma_start3A_169 = arith.constant 0 : i32
    %dma_start3A_170 = tpu.memref_slice %arg6[%dma_start3A_167, %dma_start3A_168, %dma_start3A_169] : memref<2x64x768xf32, #tpu.memory_space<vmem>> -> memref<1x64x768xf32, #tpu.memory_space<vmem>>
    %dma_start3A_171 = tpu.memref_squeeze %dma_start3A_170 : memref<1x64x768xf32, #tpu.memory_space<vmem>> -> memref<64x768xf32, #tpu.memory_space<vmem>>
    %dma_start3A_172 = arith.constant 0 : i32
    %dma_start3A_173 = tpu.memref_slice %arg2[%add3A_166, %dma_start3A_172] : memref<8192x768xf32, #tpu.memory_space<hbm>> -> memref<64x768xf32, #tpu.memory_space<hbm>>
    %dma_start3A_174 = arith.constant 0 : i32
    %dma_start3A_175 = arith.constant 0 : i32
    %dma_start3A_176 = tpu.memref_slice %arg6[%dma_start3A_167, %dma_start3A_174, %dma_start3A_175] : memref<2x64x768xf32, #tpu.memory_space<vmem>> -> memref<1x64x768xf32, #tpu.memory_space<vmem>>
    %dma_start3A_177 = tpu.memref_squeeze %dma_start3A_176 : memref<1x64x768xf32, #tpu.memory_space<vmem>> -> memref<64x768xf32, #tpu.memory_space<vmem>>
    %dma_start3A_178 = arith.constant 0 : i32
    %dma_start3A_179 = tpu.memref_slice %arg2[%add3A_166, %dma_start3A_178] : memref<8192x768xf32, #tpu.memory_space<hbm>> -> memref<64x768xf32, #tpu.memory_space<hbm>>
    tpu.enqueue_dma source(%dma_start3A_179 : memref<64x768xf32, #tpu.memory_space<hbm>>) target(%dma_start3A_177 : memref<64x768xf32, #tpu.memory_space<vmem>>) target_semaphore(%arg8 : memref<!tpu.dma_semaphore, #tpu.memory_space<semaphore_mem>>)
    %dma_start3A_180 = arith.constant 1 : i32
    %dma_start3A_181 = arith.constant 0 : i32
    %dma_start3A_182 = tpu.memref_slice %arg5[%dma_start3A_180, %dma_start3A_181] : memref<2x64xi32, #tpu.memory_space<vmem>> -> memref<1x64xi32, #tpu.memory_space<vmem>>
    %dma_start3A_183 = tpu.memref_squeeze %dma_start3A_182 : memref<1x64xi32, #tpu.memory_space<vmem>> -> memref<64xi32, #tpu.memory_space<vmem>>
    %dma_start3A_184 = tpu.memref_slice %arg3[%add3A_166] : memref<8192xi32, #tpu.memory_space<hbm>> -> memref<64xi32, #tpu.memory_space<hbm>>
    %dma_start3A_185 = arith.constant 0 : i32
    %dma_start3A_186 = tpu.memref_slice %arg5[%dma_start3A_180, %dma_start3A_185] : memref<2x64xi32, #tpu.memory_space<vmem>> -> memref<1x64xi32, #tpu.memory_space<vmem>>
    %dma_start3A_187 = tpu.memref_squeeze %dma_start3A_186 : memref<1x64xi32, #tpu.memory_space<vmem>> -> memref<64xi32, #tpu.memory_space<vmem>>
    %dma_start3A_188 = tpu.memref_slice %arg3[%add3A_166] : memref<8192xi32, #tpu.memory_space<hbm>> -> memref<64xi32, #tpu.memory_space<hbm>>
    tpu.enqueue_dma source(%dma_start3A_188 : memref<64xi32, #tpu.memory_space<hbm>>) target(%dma_start3A_187 : memref<64xi32, #tpu.memory_space<vmem>>) target_semaphore(%arg10 : memref<!tpu.dma_semaphore, #tpu.memory_space<semaphore_mem>>)
    %dma_wait3A_189 = arith.constant 0 : i32
    %dma_wait3A_190 = arith.constant 0 : i32
    %dma_wait3A_191 = arith.constant 0 : i32
    %dma_wait3A_192 = tpu.memref_slice %arg6[%dma_wait3A_189, %dma_wait3A_190, %dma_wait3A_191] : memref<2x64x768xf32, #tpu.memory_space<vmem>> -> memref<1x64x768xf32, #tpu.memory_space<vmem>>
    %dma_wait3A_193 = tpu.memref_squeeze %dma_wait3A_192 : memref<1x64x768xf32, #tpu.memory_space<vmem>> -> memref<64x768xf32, #tpu.memory_space<vmem>>
    %dma_wait3A_194 = arith.constant 0 : i32
    %dma_wait3A_195 = tpu.memref_slice %arg2[%add3A_96, %dma_wait3A_194] : memref<8192x768xf32, #tpu.memory_space<hbm>> -> memref<64x768xf32, #tpu.memory_space<hbm>>
    %dma_wait3A_196 = arith.constant 0 : i32
    %dma_wait3A_197 = arith.constant 0 : i32
    %dma_wait3A_198 = tpu.memref_slice %arg6[%dma_wait3A_189, %dma_wait3A_196, %dma_wait3A_197] : memref<2x64x768xf32, #tpu.memory_space<vmem>> -> memref<1x64x768xf32, #tpu.memory_space<vmem>>
    %dma_wait3A_199 = tpu.memref_squeeze %dma_wait3A_198 : memref<1x64x768xf32, #tpu.memory_space<vmem>> -> memref<64x768xf32, #tpu.memory_space<vmem>>
    %dma_wait3A_200 = arith.constant 0 : i32
    %dma_wait3A_201 = tpu.memref_slice %arg2[%add3A_96, %dma_wait3A_200] : memref<8192x768xf32, #tpu.memory_space<hbm>> -> memref<64x768xf32, #tpu.memory_space<hbm>>
    tpu.wait_dma2 semaphore(%arg7 : memref<!tpu.dma_semaphore, #tpu.memory_space<semaphore_mem>>) src(%dma_wait3A_201 : memref<64x768xf32, #tpu.memory_space<hbm>>) dst(%dma_wait3A_199 : memref<64x768xf32, #tpu.memory_space<vmem>>)
    %dma_wait3A_202 = arith.constant 0 : i32
    %dma_wait3A_203 = arith.constant 0 : i32
    %dma_wait3A_204 = tpu.memref_slice %arg5[%dma_wait3A_202, %dma_wait3A_203] : memref<2x64xi32, #tpu.memory_space<vmem>> -> memref<1x64xi32, #tpu.memory_space<vmem>>
    %dma_wait3A_205 = tpu.memref_squeeze %dma_wait3A_204 : memref<1x64xi32, #tpu.memory_space<vmem>> -> memref<64xi32, #tpu.memory_space<vmem>>
    %dma_wait3A_206 = tpu.memref_slice %arg3[%add3A_96] : memref<8192xi32, #tpu.memory_space<hbm>> -> memref<64xi32, #tpu.memory_space<hbm>>
    %dma_wait3A_207 = arith.constant 0 : i32
    %dma_wait3A_208 = tpu.memref_slice %arg5[%dma_wait3A_202, %dma_wait3A_207] : memref<2x64xi32, #tpu.memory_space<vmem>> -> memref<1x64xi32, #tpu.memory_space<vmem>>
    %dma_wait3A_209 = tpu.memref_squeeze %dma_wait3A_208 : memref<1x64xi32, #tpu.memory_space<vmem>> -> memref<64xi32, #tpu.memory_space<vmem>>
    %dma_wait3A_210 = tpu.memref_slice %arg3[%add3A_96] : memref<8192xi32, #tpu.memory_space<hbm>> -> memref<64xi32, #tpu.memory_space<hbm>>
    tpu.wait_dma2 semaphore(%arg9 : memref<!tpu.dma_semaphore, #tpu.memory_space<semaphore_mem>>) src(%dma_wait3A_210 : memref<64xi32, #tpu.memory_space<hbm>>) dst(%dma_wait3A_209 : memref<64xi32, #tpu.memory_space<vmem>>)
    %dma_start3A_211 = arith.constant 0 : i32
    %dma_start3A_212 = arith.constant 0 : i32
    %dma_start3A_213 = arith.constant 0 : i32
    %dma_start3A_214 = arith.constant 0 : i32
    %dma_start3A_215 = tpu.memref_slice %arg6[%dma_start3A_211, %dma_start3A_213, %dma_start3A_214] : memref<2x64x768xf32, #tpu.memory_space<vmem>> -> memref<1x64x768xf32, #tpu.memory_space<vmem>>
    %dma_start3A_216 = tpu.memref_squeeze %dma_start3A_215 : memref<1x64x768xf32, #tpu.memory_space<vmem>> -> memref<64x768xf32, #tpu.memory_space<vmem>>
    %dma_start3A_217 = arith.constant 0 : i32
    %dma_start3A_218 = tpu.memref_slice %arg5[%dma_start3A_212, %dma_start3A_217] : memref<2x64xi32, #tpu.memory_space<vmem>> -> memref<1x64xi32, #tpu.memory_space<vmem>>
    %dma_start3A_219 = tpu.memref_squeeze %dma_start3A_218 : memref<1x64xi32, #tpu.memory_space<vmem>> -> memref<64xi32, #tpu.memory_space<vmem>>
    %dma_start3A_220 = arith.constant 0 : i32
    %dma_start3A_221 = arith.constant 0 : i32
    %dma_start3A_222 = tpu.memref_slice %arg4[%dma_start3A_220, %dma_start3A_221] : memref<16384x768xf32, #tpu.memory_space<hbm>> -> memref<16384x768xf32, #tpu.memory_space<hbm>>
    tpu.enqueue_indirect_dma source(%dma_start3A_216 : memref<64x768xf32, #tpu.memory_space<vmem>>) target(%dma_start3A_222 : memref<16384x768xf32, #tpu.memory_space<hbm>>) offsets(%dma_start3A_219 : memref<64xi32, #tpu.memory_space<vmem>>) semaphore(%arg11 : memref<!tpu.dma_semaphore, #tpu.memory_space<semaphore_mem>>)
    %dma_wait3A_223 = arith.constant 1 : i32
    %dma_wait3A_224 = arith.constant 0 : i32
    %dma_wait3A_225 = arith.constant 0 : i32
    %dma_wait3A_226 = tpu.memref_slice %arg6[%dma_wait3A_223, %dma_wait3A_224, %dma_wait3A_225] : memref<2x64x768xf32, #tpu.memory_space<vmem>> -> memref<1x64x768xf32, #tpu.memory_space<vmem>>
    %dma_wait3A_227 = tpu.memref_squeeze %dma_wait3A_226 : memref<1x64x768xf32, #tpu.memory_space<vmem>> -> memref<64x768xf32, #tpu.memory_space<vmem>>
    %dma_wait3A_228 = arith.constant 0 : i32
    %dma_wait3A_229 = tpu.memref_slice %arg2[%add3A_166, %dma_wait3A_228] : memref<8192x768xf32, #tpu.memory_space<hbm>> -> memref<64x768xf32, #tpu.memory_space<hbm>>
    %dma_wait3A_230 = arith.constant 0 : i32
    %dma_wait3A_231 = arith.constant 0 : i32
    %dma_wait3A_232 = tpu.memref_slice %arg6[%dma_wait3A_223, %dma_wait3A_230, %dma_wait3A_231] : memref<2x64x768xf32, #tpu.memory_space<vmem>> -> memref<1x64x768xf32, #tpu.memory_space<vmem>>
    %dma_wait3A_233 = tpu.memref_squeeze %dma_wait3A_232 : memref<1x64x768xf32, #tpu.memory_space<vmem>> -> memref<64x768xf32, #tpu.memory_space<vmem>>
    %dma_wait3A_234 = arith.constant 0 : i32
    %dma_wait3A_235 = tpu.memref_slice %arg2[%add3A_166, %dma_wait3A_234] : memref<8192x768xf32, #tpu.memory_space<hbm>> -> memref<64x768xf32, #tpu.memory_space<hbm>>
    tpu.wait_dma2 semaphore(%arg8 : memref<!tpu.dma_semaphore, #tpu.memory_space<semaphore_mem>>) src(%dma_wait3A_235 : memref<64x768xf32, #tpu.memory_space<hbm>>) dst(%dma_wait3A_233 : memref<64x768xf32, #tpu.memory_space<vmem>>)
    %dma_wait3A_236 = arith.constant 1 : i32
    %dma_wait3A_237 = arith.constant 0 : i32
    %dma_wait3A_238 = tpu.memref_slice %arg5[%dma_wait3A_236, %dma_wait3A_237] : memref<2x64xi32, #tpu.memory_space<vmem>> -> memref<1x64xi32, #tpu.memory_space<vmem>>
    %dma_wait3A_239 = tpu.memref_squeeze %dma_wait3A_238 : memref<1x64xi32, #tpu.memory_space<vmem>> -> memref<64xi32, #tpu.memory_space<vmem>>
    %dma_wait3A_240 = tpu.memref_slice %arg3[%add3A_166] : memref<8192xi32, #tpu.memory_space<hbm>> -> memref<64xi32, #tpu.memory_space<hbm>>
    %dma_wait3A_241 = arith.constant 0 : i32
    %dma_wait3A_242 = tpu.memref_slice %arg5[%dma_wait3A_236, %dma_wait3A_241] : memref<2x64xi32, #tpu.memory_space<vmem>> -> memref<1x64xi32, #tpu.memory_space<vmem>>
    %dma_wait3A_243 = tpu.memref_squeeze %dma_wait3A_242 : memref<1x64xi32, #tpu.memory_space<vmem>> -> memref<64xi32, #tpu.memory_space<vmem>>
    %dma_wait3A_244 = tpu.memref_slice %arg3[%add3A_166] : memref<8192xi32, #tpu.memory_space<hbm>> -> memref<64xi32, #tpu.memory_space<hbm>>
    tpu.wait_dma2 semaphore(%arg10 : memref<!tpu.dma_semaphore, #tpu.memory_space<semaphore_mem>>) src(%dma_wait3A_244 : memref<64xi32, #tpu.memory_space<hbm>>) dst(%dma_wait3A_243 : memref<64xi32, #tpu.memory_space<vmem>>)
    %dma_start3A_245 = arith.constant 1 : i32
    %dma_start3A_246 = arith.constant 1 : i32
    %dma_start3A_247 = arith.constant 0 : i32
    %dma_start3A_248 = arith.constant 0 : i32
    %dma_start3A_249 = tpu.memref_slice %arg6[%dma_start3A_245, %dma_start3A_247, %dma_start3A_248] : memref<2x64x768xf32, #tpu.memory_space<vmem>> -> memref<1x64x768xf32, #tpu.memory_space<vmem>>
    %dma_start3A_250 = tpu.memref_squeeze %dma_start3A_249 : memref<1x64x768xf32, #tpu.memory_space<vmem>> -> memref<64x768xf32, #tpu.memory_space<vmem>>
    %dma_start3A_251 = arith.constant 0 : i32
    %dma_start3A_252 = tpu.memref_slice %arg5[%dma_start3A_246, %dma_start3A_251] : memref<2x64xi32, #tpu.memory_space<vmem>> -> memref<1x64xi32, #tpu.memory_space<vmem>>
    %dma_start3A_253 = tpu.memref_squeeze %dma_start3A_252 : memref<1x64xi32, #tpu.memory_space<vmem>> -> memref<64xi32, #tpu.memory_space<vmem>>
    %dma_start3A_254 = arith.constant 0 : i32
    %dma_start3A_255 = arith.constant 0 : i32
    %dma_start3A_256 = tpu.memref_slice %arg4[%dma_start3A_254, %dma_start3A_255] : memref<16384x768xf32, #tpu.memory_space<hbm>> -> memref<16384x768xf32, #tpu.memory_space<hbm>>
    tpu.enqueue_indirect_dma source(%dma_start3A_250 : memref<64x768xf32, #tpu.memory_space<vmem>>) target(%dma_start3A_256 : memref<16384x768xf32, #tpu.memory_space<hbm>>) offsets(%dma_start3A_253 : memref<64xi32, #tpu.memory_space<vmem>>) semaphore(%arg12 : memref<!tpu.dma_semaphore, #tpu.memory_space<semaphore_mem>>)
    %dma_wait3A_257 = arith.constant 0 : i32
    %dma_wait3A_258 = arith.constant 0 : i32
    %dma_wait3A_259 = arith.constant 0 : i32
    %dma_wait3A_260 = arith.constant 0 : i32
    %dma_wait3A_261 = tpu.memref_slice %arg6[%dma_wait3A_257, %dma_wait3A_259, %dma_wait3A_260] : memref<2x64x768xf32, #tpu.memory_space<vmem>> -> memref<1x64x768xf32, #tpu.memory_space<vmem>>
    %dma_wait3A_262 = tpu.memref_squeeze %dma_wait3A_261 : memref<1x64x768xf32, #tpu.memory_space<vmem>> -> memref<64x768xf32, #tpu.memory_space<vmem>>
    %dma_wait3A_263 = arith.constant 0 : i32
    %dma_wait3A_264 = tpu.memref_slice %arg5[%dma_wait3A_258, %dma_wait3A_263] : memref<2x64xi32, #tpu.memory_space<vmem>> -> memref<1x64xi32, #tpu.memory_space<vmem>>
    %dma_wait3A_265 = tpu.memref_squeeze %dma_wait3A_264 : memref<1x64xi32, #tpu.memory_space<vmem>> -> memref<64xi32, #tpu.memory_space<vmem>>
    %dma_wait3A_266 = arith.constant 0 : i32
    %dma_wait3A_267 = arith.constant 0 : i32
    %dma_wait3A_268 = tpu.memref_slice %arg4[%dma_wait3A_266, %dma_wait3A_267] : memref<16384x768xf32, #tpu.memory_space<hbm>> -> memref<16384x768xf32, #tpu.memory_space<hbm>>
    tpu.wait_indirect_dma semaphore(%arg11 : memref<!tpu.dma_semaphore, #tpu.memory_space<semaphore_mem>>) src(%dma_wait3A_262 : memref<64x768xf32, #tpu.memory_space<vmem>>) dst(%dma_wait3A_268 : memref<16384x768xf32, #tpu.memory_space<hbm>>)
    %dma_wait3A_269 = arith.constant 1 : i32
    %dma_wait3A_270 = arith.constant 1 : i32
    %dma_wait3A_271 = arith.constant 0 : i32
    %dma_wait3A_272 = arith.constant 0 : i32
    %dma_wait3A_273 = tpu.memref_slice %arg6[%dma_wait3A_269, %dma_wait3A_271, %dma_wait3A_272] : memref<2x64x768xf32, #tpu.memory_space<vmem>> -> memref<1x64x768xf32, #tpu.memory_space<vmem>>
    %dma_wait3A_274 = tpu.memref_squeeze %dma_wait3A_273 : memref<1x64x768xf32, #tpu.memory_space<vmem>> -> memref<64x768xf32, #tpu.memory_space<vmem>>
    %dma_wait3A_275 = arith.constant 0 : i32
    %dma_wait3A_276 = tpu.memref_slice %arg5[%dma_wait3A_270, %dma_wait3A_275] : memref<2x64xi32, #tpu.memory_space<vmem>> -> memref<1x64xi32, #tpu.memory_space<vmem>>
    %dma_wait3A_277 = tpu.memref_squeeze %dma_wait3A_276 : memref<1x64xi32, #tpu.memory_space<vmem>> -> memref<64xi32, #tpu.memory_space<vmem>>
    %dma_wait3A_278 = arith.constant 0 : i32
    %dma_wait3A_279 = arith.constant 0 : i32
    %dma_wait3A_280 = tpu.memref_slice %arg4[%dma_wait3A_278, %dma_wait3A_279] : memref<16384x768xf32, #tpu.memory_space<hbm>> -> memref<16384x768xf32, #tpu.memory_space<hbm>>
    tpu.wait_indirect_dma semaphore(%arg12 : memref<!tpu.dma_semaphore, #tpu.memory_space<semaphore_mem>>) src(%dma_wait3A_274 : memref<64x768xf32, #tpu.memory_space<vmem>>) dst(%dma_wait3A_280 : memref<16384x768xf32, #tpu.memory_space<hbm>>)
    return
  }
}

#map = affine_map<(d0, d1) -> (0, 0)>
#map1 = affine_map<(d0, d1) -> (0)>
module attributes {stable_mosaic.version = 14 : i64} {
  func.func @_combine_body(%arg0: i32, %arg1: i32, %arg2: memref<16384x768xf32, #tpu.memory_space<hbm>>, %arg3: memref<8192xi32, #tpu.memory_space<hbm>>, %arg4: memref<8192x768xf32, #tpu.memory_space<hbm>>, %arg5: memref<2x64xi32, #tpu.memory_space<vmem>>, %arg6: memref<2x64x768xf32, #tpu.memory_space<vmem>>, %arg7: memref<!tpu.dma_semaphore, #tpu.memory_space<semaphore_mem>>, %arg8: memref<!tpu.dma_semaphore, #tpu.memory_space<semaphore_mem>>, %arg9: memref<!tpu.dma_semaphore, #tpu.memory_space<semaphore_mem>>, %arg10: memref<!tpu.dma_semaphore, #tpu.memory_space<semaphore_mem>>, %arg11: memref<!tpu.dma_semaphore, #tpu.memory_space<semaphore_mem>>, %arg12: memref<!tpu.dma_semaphore, #tpu.memory_space<semaphore_mem>>) attributes {dimension_semantics = [#tpu.dimension_semantics<core_parallel>, #tpu.dimension_semantics<subcore_parallel>], iteration_bounds = array<i64: 2, 16>, scalar_prefetch = 0 : i64, scratch_operands = 8 : i64, tpu.core_type = #tpu.core_type<sc_vector_subcore>, window_params = [{transform_indices = #map}, {transform_indices = #map1}, {transform_indices = #map}]} {
    %mul3A = arith.constant 2 : i32
    %mul3A_0 = arith.muli %arg1, %mul3A : i32
    %add3A = arith.addi %mul3A_0, %arg0 : i32
    %mul3A_1 = arith.constant 256 : i32
    %mul3A_2 = arith.muli %add3A, %mul3A_1 : i32
    %add3A_3 = arith.constant 0 : i32
    %add3A_4 = arith.addi %mul3A_2, %add3A_3 : i32
    %dma_start3A = arith.constant 0 : i32
    %dma_start3A_5 = arith.constant 0 : i32
    %dma_start3A_6 = tpu.memref_slice %arg5[%dma_start3A, %dma_start3A_5] : memref<2x64xi32, #tpu.memory_space<vmem>> -> memref<1x64xi32, #tpu.memory_space<vmem>>
    %dma_start3A_7 = tpu.memref_squeeze %dma_start3A_6 : memref<1x64xi32, #tpu.memory_space<vmem>> -> memref<64xi32, #tpu.memory_space<vmem>>
    %dma_start3A_8 = tpu.memref_slice %arg3[%add3A_4] : memref<8192xi32, #tpu.memory_space<hbm>> -> memref<64xi32, #tpu.memory_space<hbm>>
    %dma_start3A_9 = arith.constant 0 : i32
    %dma_start3A_10 = tpu.memref_slice %arg5[%dma_start3A, %dma_start3A_9] : memref<2x64xi32, #tpu.memory_space<vmem>> -> memref<1x64xi32, #tpu.memory_space<vmem>>
    %dma_start3A_11 = tpu.memref_squeeze %dma_start3A_10 : memref<1x64xi32, #tpu.memory_space<vmem>> -> memref<64xi32, #tpu.memory_space<vmem>>
    %dma_start3A_12 = tpu.memref_slice %arg3[%add3A_4] : memref<8192xi32, #tpu.memory_space<hbm>> -> memref<64xi32, #tpu.memory_space<hbm>>
    tpu.enqueue_dma source(%dma_start3A_12 : memref<64xi32, #tpu.memory_space<hbm>>) target(%dma_start3A_11 : memref<64xi32, #tpu.memory_space<vmem>>) target_semaphore(%arg9 : memref<!tpu.dma_semaphore, #tpu.memory_space<semaphore_mem>>)
    %dma_wait3A = arith.constant 0 : i32
    %dma_wait3A_13 = arith.constant 0 : i32
    %dma_wait3A_14 = tpu.memref_slice %arg5[%dma_wait3A, %dma_wait3A_13] : memref<2x64xi32, #tpu.memory_space<vmem>> -> memref<1x64xi32, #tpu.memory_space<vmem>>
    %dma_wait3A_15 = tpu.memref_squeeze %dma_wait3A_14 : memref<1x64xi32, #tpu.memory_space<vmem>> -> memref<64xi32, #tpu.memory_space<vmem>>
    %dma_wait3A_16 = tpu.memref_slice %arg3[%add3A_4] : memref<8192xi32, #tpu.memory_space<hbm>> -> memref<64xi32, #tpu.memory_space<hbm>>
    %dma_wait3A_17 = arith.constant 0 : i32
    %dma_wait3A_18 = tpu.memref_slice %arg5[%dma_wait3A, %dma_wait3A_17] : memref<2x64xi32, #tpu.memory_space<vmem>> -> memref<1x64xi32, #tpu.memory_space<vmem>>
    %dma_wait3A_19 = tpu.memref_squeeze %dma_wait3A_18 : memref<1x64xi32, #tpu.memory_space<vmem>> -> memref<64xi32, #tpu.memory_space<vmem>>
    %dma_wait3A_20 = tpu.memref_slice %arg3[%add3A_4] : memref<8192xi32, #tpu.memory_space<hbm>> -> memref<64xi32, #tpu.memory_space<hbm>>
    tpu.wait_dma2 semaphore(%arg9 : memref<!tpu.dma_semaphore, #tpu.memory_space<semaphore_mem>>) src(%dma_wait3A_20 : memref<64xi32, #tpu.memory_space<hbm>>) dst(%dma_wait3A_19 : memref<64xi32, #tpu.memory_space<vmem>>)
    %dma_start3A_21 = arith.constant 0 : i32
    %dma_start3A_22 = arith.constant 0 : i32
    %dma_start3A_23 = arith.constant 0 : i32
    %dma_start3A_24 = arith.constant 0 : i32
    %dma_start3A_25 = tpu.memref_slice %arg6[%dma_start3A_22, %dma_start3A_23, %dma_start3A_24] : memref<2x64x768xf32, #tpu.memory_space<vmem>> -> memref<1x64x768xf32, #tpu.memory_space<vmem>>
    %dma_start3A_26 = tpu.memref_squeeze %dma_start3A_25 : memref<1x64x768xf32, #tpu.memory_space<vmem>> -> memref<64x768xf32, #tpu.memory_space<vmem>>
    %dma_start3A_27 = arith.constant 0 : i32
    %dma_start3A_28 = tpu.memref_slice %arg5[%dma_start3A_21, %dma_start3A_27] : memref<2x64xi32, #tpu.memory_space<vmem>> -> memref<1x64xi32, #tpu.memory_space<vmem>>
    %dma_start3A_29 = tpu.memref_squeeze %dma_start3A_28 : memref<1x64xi32, #tpu.memory_space<vmem>> -> memref<64xi32, #tpu.memory_space<vmem>>
    %dma_start3A_30 = arith.constant 0 : i32
    %dma_start3A_31 = arith.constant 0 : i32
    %dma_start3A_32 = tpu.memref_slice %arg2[%dma_start3A_30, %dma_start3A_31] : memref<16384x768xf32, #tpu.memory_space<hbm>> -> memref<16384x768xf32, #tpu.memory_space<hbm>>
    tpu.enqueue_indirect_dma source(%dma_start3A_32 : memref<16384x768xf32, #tpu.memory_space<hbm>>) target(%dma_start3A_26 : memref<64x768xf32, #tpu.memory_space<vmem>>) offsets(%dma_start3A_29 : memref<64xi32, #tpu.memory_space<vmem>>) semaphore(%arg7 : memref<!tpu.dma_semaphore, #tpu.memory_space<semaphore_mem>>)
    %add3A_33 = arith.constant 64 : i32
    %add3A_34 = arith.addi %mul3A_2, %add3A_33 : i32
    %dma_start3A_35 = arith.constant 1 : i32
    %dma_start3A_36 = arith.constant 0 : i32
    %dma_start3A_37 = tpu.memref_slice %arg5[%dma_start3A_35, %dma_start3A_36] : memref<2x64xi32, #tpu.memory_space<vmem>> -> memref<1x64xi32, #tpu.memory_space<vmem>>
    %dma_start3A_38 = tpu.memref_squeeze %dma_start3A_37 : memref<1x64xi32, #tpu.memory_space<vmem>> -> memref<64xi32, #tpu.memory_space<vmem>>
    %dma_start3A_39 = tpu.memref_slice %arg3[%add3A_34] : memref<8192xi32, #tpu.memory_space<hbm>> -> memref<64xi32, #tpu.memory_space<hbm>>
    %dma_start3A_40 = arith.constant 0 : i32
    %dma_start3A_41 = tpu.memref_slice %arg5[%dma_start3A_35, %dma_start3A_40] : memref<2x64xi32, #tpu.memory_space<vmem>> -> memref<1x64xi32, #tpu.memory_space<vmem>>
    %dma_start3A_42 = tpu.memref_squeeze %dma_start3A_41 : memref<1x64xi32, #tpu.memory_space<vmem>> -> memref<64xi32, #tpu.memory_space<vmem>>
    %dma_start3A_43 = tpu.memref_slice %arg3[%add3A_34] : memref<8192xi32, #tpu.memory_space<hbm>> -> memref<64xi32, #tpu.memory_space<hbm>>
    tpu.enqueue_dma source(%dma_start3A_43 : memref<64xi32, #tpu.memory_space<hbm>>) target(%dma_start3A_42 : memref<64xi32, #tpu.memory_space<vmem>>) target_semaphore(%arg10 : memref<!tpu.dma_semaphore, #tpu.memory_space<semaphore_mem>>)
    %dma_wait3A_44 = arith.constant 1 : i32
    %dma_wait3A_45 = arith.constant 0 : i32
    %dma_wait3A_46 = tpu.memref_slice %arg5[%dma_wait3A_44, %dma_wait3A_45] : memref<2x64xi32, #tpu.memory_space<vmem>> -> memref<1x64xi32, #tpu.memory_space<vmem>>
    %dma_wait3A_47 = tpu.memref_squeeze %dma_wait3A_46 : memref<1x64xi32, #tpu.memory_space<vmem>> -> memref<64xi32, #tpu.memory_space<vmem>>
    %dma_wait3A_48 = tpu.memref_slice %arg3[%add3A_34] : memref<8192xi32, #tpu.memory_space<hbm>> -> memref<64xi32, #tpu.memory_space<hbm>>
    %dma_wait3A_49 = arith.constant 0 : i32
    %dma_wait3A_50 = tpu.memref_slice %arg5[%dma_wait3A_44, %dma_wait3A_49] : memref<2x64xi32, #tpu.memory_space<vmem>> -> memref<1x64xi32, #tpu.memory_space<vmem>>
    %dma_wait3A_51 = tpu.memref_squeeze %dma_wait3A_50 : memref<1x64xi32, #tpu.memory_space<vmem>> -> memref<64xi32, #tpu.memory_space<vmem>>
    %dma_wait3A_52 = tpu.memref_slice %arg3[%add3A_34] : memref<8192xi32, #tpu.memory_space<hbm>> -> memref<64xi32, #tpu.memory_space<hbm>>
    tpu.wait_dma2 semaphore(%arg10 : memref<!tpu.dma_semaphore, #tpu.memory_space<semaphore_mem>>) src(%dma_wait3A_52 : memref<64xi32, #tpu.memory_space<hbm>>) dst(%dma_wait3A_51 : memref<64xi32, #tpu.memory_space<vmem>>)
    %dma_start3A_53 = arith.constant 1 : i32
    %dma_start3A_54 = arith.constant 1 : i32
    %dma_start3A_55 = arith.constant 0 : i32
    %dma_start3A_56 = arith.constant 0 : i32
    %dma_start3A_57 = tpu.memref_slice %arg6[%dma_start3A_54, %dma_start3A_55, %dma_start3A_56] : memref<2x64x768xf32, #tpu.memory_space<vmem>> -> memref<1x64x768xf32, #tpu.memory_space<vmem>>
    %dma_start3A_58 = tpu.memref_squeeze %dma_start3A_57 : memref<1x64x768xf32, #tpu.memory_space<vmem>> -> memref<64x768xf32, #tpu.memory_space<vmem>>
    %dma_start3A_59 = arith.constant 0 : i32
    %dma_start3A_60 = tpu.memref_slice %arg5[%dma_start3A_53, %dma_start3A_59] : memref<2x64xi32, #tpu.memory_space<vmem>> -> memref<1x64xi32, #tpu.memory_space<vmem>>
    %dma_start3A_61 = tpu.memref_squeeze %dma_start3A_60 : memref<1x64xi32, #tpu.memory_space<vmem>> -> memref<64xi32, #tpu.memory_space<vmem>>
    %dma_start3A_62 = arith.constant 0 : i32
    %dma_start3A_63 = arith.constant 0 : i32
    %dma_start3A_64 = tpu.memref_slice %arg2[%dma_start3A_62, %dma_start3A_63] : memref<16384x768xf32, #tpu.memory_space<hbm>> -> memref<16384x768xf32, #tpu.memory_space<hbm>>
    tpu.enqueue_indirect_dma source(%dma_start3A_64 : memref<16384x768xf32, #tpu.memory_space<hbm>>) target(%dma_start3A_58 : memref<64x768xf32, #tpu.memory_space<vmem>>) offsets(%dma_start3A_61 : memref<64xi32, #tpu.memory_space<vmem>>) semaphore(%arg8 : memref<!tpu.dma_semaphore, #tpu.memory_space<semaphore_mem>>)
    %dma_wait3A_65 = arith.constant 0 : i32
    %dma_wait3A_66 = arith.constant 0 : i32
    %dma_wait3A_67 = arith.constant 0 : i32
    %dma_wait3A_68 = arith.constant 0 : i32
    %dma_wait3A_69 = tpu.memref_slice %arg6[%dma_wait3A_66, %dma_wait3A_67, %dma_wait3A_68] : memref<2x64x768xf32, #tpu.memory_space<vmem>> -> memref<1x64x768xf32, #tpu.memory_space<vmem>>
    %dma_wait3A_70 = tpu.memref_squeeze %dma_wait3A_69 : memref<1x64x768xf32, #tpu.memory_space<vmem>> -> memref<64x768xf32, #tpu.memory_space<vmem>>
    %dma_wait3A_71 = arith.constant 0 : i32
    %dma_wait3A_72 = tpu.memref_slice %arg5[%dma_wait3A_65, %dma_wait3A_71] : memref<2x64xi32, #tpu.memory_space<vmem>> -> memref<1x64xi32, #tpu.memory_space<vmem>>
    %dma_wait3A_73 = tpu.memref_squeeze %dma_wait3A_72 : memref<1x64xi32, #tpu.memory_space<vmem>> -> memref<64xi32, #tpu.memory_space<vmem>>
    %dma_wait3A_74 = arith.constant 0 : i32
    %dma_wait3A_75 = arith.constant 0 : i32
    %dma_wait3A_76 = tpu.memref_slice %arg2[%dma_wait3A_74, %dma_wait3A_75] : memref<16384x768xf32, #tpu.memory_space<hbm>> -> memref<16384x768xf32, #tpu.memory_space<hbm>>
    tpu.wait_indirect_dma semaphore(%arg7 : memref<!tpu.dma_semaphore, #tpu.memory_space<semaphore_mem>>) src(%dma_wait3A_76 : memref<16384x768xf32, #tpu.memory_space<hbm>>) dst(%dma_wait3A_70 : memref<64x768xf32, #tpu.memory_space<vmem>>)
    %add3A_77 = arith.constant 0 : i32
    %add3A_78 = arith.addi %mul3A_2, %add3A_77 : i32
    %dma_start3A_79 = arith.constant 0 : i32
    %dma_start3A_80 = arith.constant 0 : i32
    %dma_start3A_81 = arith.constant 0 : i32
    %dma_start3A_82 = tpu.memref_slice %arg6[%dma_start3A_79, %dma_start3A_80, %dma_start3A_81] : memref<2x64x768xf32, #tpu.memory_space<vmem>> -> memref<1x64x768xf32, #tpu.memory_space<vmem>>
    %dma_start3A_83 = tpu.memref_squeeze %dma_start3A_82 : memref<1x64x768xf32, #tpu.memory_space<vmem>> -> memref<64x768xf32, #tpu.memory_space<vmem>>
    %dma_start3A_84 = arith.constant 0 : i32
    %dma_start3A_85 = tpu.memref_slice %arg4[%add3A_78, %dma_start3A_84] : memref<8192x768xf32, #tpu.memory_space<hbm>> -> memref<64x768xf32, #tpu.memory_space<hbm>>
    %dma_start3A_86 = arith.constant 0 : i32
    %dma_start3A_87 = tpu.memref_slice %arg4[%add3A_78, %dma_start3A_86] : memref<8192x768xf32, #tpu.memory_space<hbm>> -> memref<64x768xf32, #tpu.memory_space<hbm>>
    %dma_start3A_88 = arith.constant 0 : i32
    %dma_start3A_89 = arith.constant 0 : i32
    %dma_start3A_90 = tpu.memref_slice %arg6[%dma_start3A_79, %dma_start3A_88, %dma_start3A_89] : memref<2x64x768xf32, #tpu.memory_space<vmem>> -> memref<1x64x768xf32, #tpu.memory_space<vmem>>
    %dma_start3A_91 = tpu.memref_squeeze %dma_start3A_90 : memref<1x64x768xf32, #tpu.memory_space<vmem>> -> memref<64x768xf32, #tpu.memory_space<vmem>>
    tpu.enqueue_dma source(%dma_start3A_91 : memref<64x768xf32, #tpu.memory_space<vmem>>) target(%dma_start3A_87 : memref<64x768xf32, #tpu.memory_space<hbm>>) target_semaphore(%arg11 : memref<!tpu.dma_semaphore, #tpu.memory_space<semaphore_mem>>)
    %dma_wait3A_92 = arith.constant 0 : i32
    %dma_wait3A_93 = arith.constant 0 : i32
    %dma_wait3A_94 = arith.constant 0 : i32
    %dma_wait3A_95 = tpu.memref_slice %arg6[%dma_wait3A_92, %dma_wait3A_93, %dma_wait3A_94] : memref<2x64x768xf32, #tpu.memory_space<vmem>> -> memref<1x64x768xf32, #tpu.memory_space<vmem>>
    %dma_wait3A_96 = tpu.memref_squeeze %dma_wait3A_95 : memref<1x64x768xf32, #tpu.memory_space<vmem>> -> memref<64x768xf32, #tpu.memory_space<vmem>>
    %dma_wait3A_97 = arith.constant 0 : i32
    %dma_wait3A_98 = tpu.memref_slice %arg4[%add3A_78, %dma_wait3A_97] : memref<8192x768xf32, #tpu.memory_space<hbm>> -> memref<64x768xf32, #tpu.memory_space<hbm>>
    %dma_wait3A_99 = arith.constant 0 : i32
    %dma_wait3A_100 = tpu.memref_slice %arg4[%add3A_78, %dma_wait3A_99] : memref<8192x768xf32, #tpu.memory_space<hbm>> -> memref<64x768xf32, #tpu.memory_space<hbm>>
    %dma_wait3A_101 = arith.constant 0 : i32
    %dma_wait3A_102 = arith.constant 0 : i32
    %dma_wait3A_103 = tpu.memref_slice %arg6[%dma_wait3A_92, %dma_wait3A_101, %dma_wait3A_102] : memref<2x64x768xf32, #tpu.memory_space<vmem>> -> memref<1x64x768xf32, #tpu.memory_space<vmem>>
    %dma_wait3A_104 = tpu.memref_squeeze %dma_wait3A_103 : memref<1x64x768xf32, #tpu.memory_space<vmem>> -> memref<64x768xf32, #tpu.memory_space<vmem>>
    tpu.wait_dma2 semaphore(%arg11 : memref<!tpu.dma_semaphore, #tpu.memory_space<semaphore_mem>>) src(%dma_wait3A_104 : memref<64x768xf32, #tpu.memory_space<vmem>>) dst(%dma_wait3A_100 : memref<64x768xf32, #tpu.memory_space<hbm>>)
    %add3A_105 = arith.constant 128 : i32
    %add3A_106 = arith.addi %mul3A_2, %add3A_105 : i32
    %dma_start3A_107 = arith.constant 0 : i32
    %dma_start3A_108 = arith.constant 0 : i32
    %dma_start3A_109 = tpu.memref_slice %arg5[%dma_start3A_107, %dma_start3A_108] : memref<2x64xi32, #tpu.memory_space<vmem>> -> memref<1x64xi32, #tpu.memory_space<vmem>>
    %dma_start3A_110 = tpu.memref_squeeze %dma_start3A_109 : memref<1x64xi32, #tpu.memory_space<vmem>> -> memref<64xi32, #tpu.memory_space<vmem>>
    %dma_start3A_111 = tpu.memref_slice %arg3[%add3A_106] : memref<8192xi32, #tpu.memory_space<hbm>> -> memref<64xi32, #tpu.memory_space<hbm>>
    %dma_start3A_112 = arith.constant 0 : i32
    %dma_start3A_113 = tpu.memref_slice %arg5[%dma_start3A_107, %dma_start3A_112] : memref<2x64xi32, #tpu.memory_space<vmem>> -> memref<1x64xi32, #tpu.memory_space<vmem>>
    %dma_start3A_114 = tpu.memref_squeeze %dma_start3A_113 : memref<1x64xi32, #tpu.memory_space<vmem>> -> memref<64xi32, #tpu.memory_space<vmem>>
    %dma_start3A_115 = tpu.memref_slice %arg3[%add3A_106] : memref<8192xi32, #tpu.memory_space<hbm>> -> memref<64xi32, #tpu.memory_space<hbm>>
    tpu.enqueue_dma source(%dma_start3A_115 : memref<64xi32, #tpu.memory_space<hbm>>) target(%dma_start3A_114 : memref<64xi32, #tpu.memory_space<vmem>>) target_semaphore(%arg9 : memref<!tpu.dma_semaphore, #tpu.memory_space<semaphore_mem>>)
    %dma_wait3A_116 = arith.constant 0 : i32
    %dma_wait3A_117 = arith.constant 0 : i32
    %dma_wait3A_118 = tpu.memref_slice %arg5[%dma_wait3A_116, %dma_wait3A_117] : memref<2x64xi32, #tpu.memory_space<vmem>> -> memref<1x64xi32, #tpu.memory_space<vmem>>
    %dma_wait3A_119 = tpu.memref_squeeze %dma_wait3A_118 : memref<1x64xi32, #tpu.memory_space<vmem>> -> memref<64xi32, #tpu.memory_space<vmem>>
    %dma_wait3A_120 = tpu.memref_slice %arg3[%add3A_106] : memref<8192xi32, #tpu.memory_space<hbm>> -> memref<64xi32, #tpu.memory_space<hbm>>
    %dma_wait3A_121 = arith.constant 0 : i32
    %dma_wait3A_122 = tpu.memref_slice %arg5[%dma_wait3A_116, %dma_wait3A_121] : memref<2x64xi32, #tpu.memory_space<vmem>> -> memref<1x64xi32, #tpu.memory_space<vmem>>
    %dma_wait3A_123 = tpu.memref_squeeze %dma_wait3A_122 : memref<1x64xi32, #tpu.memory_space<vmem>> -> memref<64xi32, #tpu.memory_space<vmem>>
    %dma_wait3A_124 = tpu.memref_slice %arg3[%add3A_106] : memref<8192xi32, #tpu.memory_space<hbm>> -> memref<64xi32, #tpu.memory_space<hbm>>
    tpu.wait_dma2 semaphore(%arg9 : memref<!tpu.dma_semaphore, #tpu.memory_space<semaphore_mem>>) src(%dma_wait3A_124 : memref<64xi32, #tpu.memory_space<hbm>>) dst(%dma_wait3A_123 : memref<64xi32, #tpu.memory_space<vmem>>)
    %dma_start3A_125 = arith.constant 0 : i32
    %dma_start3A_126 = arith.constant 0 : i32
    %dma_start3A_127 = arith.constant 0 : i32
    %dma_start3A_128 = arith.constant 0 : i32
    %dma_start3A_129 = tpu.memref_slice %arg6[%dma_start3A_126, %dma_start3A_127, %dma_start3A_128] : memref<2x64x768xf32, #tpu.memory_space<vmem>> -> memref<1x64x768xf32, #tpu.memory_space<vmem>>
    %dma_start3A_130 = tpu.memref_squeeze %dma_start3A_129 : memref<1x64x768xf32, #tpu.memory_space<vmem>> -> memref<64x768xf32, #tpu.memory_space<vmem>>
    %dma_start3A_131 = arith.constant 0 : i32
    %dma_start3A_132 = tpu.memref_slice %arg5[%dma_start3A_125, %dma_start3A_131] : memref<2x64xi32, #tpu.memory_space<vmem>> -> memref<1x64xi32, #tpu.memory_space<vmem>>
    %dma_start3A_133 = tpu.memref_squeeze %dma_start3A_132 : memref<1x64xi32, #tpu.memory_space<vmem>> -> memref<64xi32, #tpu.memory_space<vmem>>
    %dma_start3A_134 = arith.constant 0 : i32
    %dma_start3A_135 = arith.constant 0 : i32
    %dma_start3A_136 = tpu.memref_slice %arg2[%dma_start3A_134, %dma_start3A_135] : memref<16384x768xf32, #tpu.memory_space<hbm>> -> memref<16384x768xf32, #tpu.memory_space<hbm>>
    tpu.enqueue_indirect_dma source(%dma_start3A_136 : memref<16384x768xf32, #tpu.memory_space<hbm>>) target(%dma_start3A_130 : memref<64x768xf32, #tpu.memory_space<vmem>>) offsets(%dma_start3A_133 : memref<64xi32, #tpu.memory_space<vmem>>) semaphore(%arg7 : memref<!tpu.dma_semaphore, #tpu.memory_space<semaphore_mem>>)
    %dma_wait3A_137 = arith.constant 1 : i32
    %dma_wait3A_138 = arith.constant 1 : i32
    %dma_wait3A_139 = arith.constant 0 : i32
    %dma_wait3A_140 = arith.constant 0 : i32
    %dma_wait3A_141 = tpu.memref_slice %arg6[%dma_wait3A_138, %dma_wait3A_139, %dma_wait3A_140] : memref<2x64x768xf32, #tpu.memory_space<vmem>> -> memref<1x64x768xf32, #tpu.memory_space<vmem>>
    %dma_wait3A_142 = tpu.memref_squeeze %dma_wait3A_141 : memref<1x64x768xf32, #tpu.memory_space<vmem>> -> memref<64x768xf32, #tpu.memory_space<vmem>>
    %dma_wait3A_143 = arith.constant 0 : i32
    %dma_wait3A_144 = tpu.memref_slice %arg5[%dma_wait3A_137, %dma_wait3A_143] : memref<2x64xi32, #tpu.memory_space<vmem>> -> memref<1x64xi32, #tpu.memory_space<vmem>>
    %dma_wait3A_145 = tpu.memref_squeeze %dma_wait3A_144 : memref<1x64xi32, #tpu.memory_space<vmem>> -> memref<64xi32, #tpu.memory_space<vmem>>
    %dma_wait3A_146 = arith.constant 0 : i32
    %dma_wait3A_147 = arith.constant 0 : i32
    %dma_wait3A_148 = tpu.memref_slice %arg2[%dma_wait3A_146, %dma_wait3A_147] : memref<16384x768xf32, #tpu.memory_space<hbm>> -> memref<16384x768xf32, #tpu.memory_space<hbm>>
    tpu.wait_indirect_dma semaphore(%arg8 : memref<!tpu.dma_semaphore, #tpu.memory_space<semaphore_mem>>) src(%dma_wait3A_148 : memref<16384x768xf32, #tpu.memory_space<hbm>>) dst(%dma_wait3A_142 : memref<64x768xf32, #tpu.memory_space<vmem>>)
    %add3A_149 = arith.constant 64 : i32
    %add3A_150 = arith.addi %mul3A_2, %add3A_149 : i32
    %dma_start3A_151 = arith.constant 1 : i32
    %dma_start3A_152 = arith.constant 0 : i32
    %dma_start3A_153 = arith.constant 0 : i32
    %dma_start3A_154 = tpu.memref_slice %arg6[%dma_start3A_151, %dma_start3A_152, %dma_start3A_153] : memref<2x64x768xf32, #tpu.memory_space<vmem>> -> memref<1x64x768xf32, #tpu.memory_space<vmem>>
    %dma_start3A_155 = tpu.memref_squeeze %dma_start3A_154 : memref<1x64x768xf32, #tpu.memory_space<vmem>> -> memref<64x768xf32, #tpu.memory_space<vmem>>
    %dma_start3A_156 = arith.constant 0 : i32
    %dma_start3A_157 = tpu.memref_slice %arg4[%add3A_150, %dma_start3A_156] : memref<8192x768xf32, #tpu.memory_space<hbm>> -> memref<64x768xf32, #tpu.memory_space<hbm>>
    %dma_start3A_158 = arith.constant 0 : i32
    %dma_start3A_159 = tpu.memref_slice %arg4[%add3A_150, %dma_start3A_158] : memref<8192x768xf32, #tpu.memory_space<hbm>> -> memref<64x768xf32, #tpu.memory_space<hbm>>
    %dma_start3A_160 = arith.constant 0 : i32
    %dma_start3A_161 = arith.constant 0 : i32
    %dma_start3A_162 = tpu.memref_slice %arg6[%dma_start3A_151, %dma_start3A_160, %dma_start3A_161] : memref<2x64x768xf32, #tpu.memory_space<vmem>> -> memref<1x64x768xf32, #tpu.memory_space<vmem>>
    %dma_start3A_163 = tpu.memref_squeeze %dma_start3A_162 : memref<1x64x768xf32, #tpu.memory_space<vmem>> -> memref<64x768xf32, #tpu.memory_space<vmem>>
    tpu.enqueue_dma source(%dma_start3A_163 : memref<64x768xf32, #tpu.memory_space<vmem>>) target(%dma_start3A_159 : memref<64x768xf32, #tpu.memory_space<hbm>>) target_semaphore(%arg12 : memref<!tpu.dma_semaphore, #tpu.memory_space<semaphore_mem>>)
    %dma_wait3A_164 = arith.constant 1 : i32
    %dma_wait3A_165 = arith.constant 0 : i32
    %dma_wait3A_166 = arith.constant 0 : i32
    %dma_wait3A_167 = tpu.memref_slice %arg6[%dma_wait3A_164, %dma_wait3A_165, %dma_wait3A_166] : memref<2x64x768xf32, #tpu.memory_space<vmem>> -> memref<1x64x768xf32, #tpu.memory_space<vmem>>
    %dma_wait3A_168 = tpu.memref_squeeze %dma_wait3A_167 : memref<1x64x768xf32, #tpu.memory_space<vmem>> -> memref<64x768xf32, #tpu.memory_space<vmem>>
    %dma_wait3A_169 = arith.constant 0 : i32
    %dma_wait3A_170 = tpu.memref_slice %arg4[%add3A_150, %dma_wait3A_169] : memref<8192x768xf32, #tpu.memory_space<hbm>> -> memref<64x768xf32, #tpu.memory_space<hbm>>
    %dma_wait3A_171 = arith.constant 0 : i32
    %dma_wait3A_172 = tpu.memref_slice %arg4[%add3A_150, %dma_wait3A_171] : memref<8192x768xf32, #tpu.memory_space<hbm>> -> memref<64x768xf32, #tpu.memory_space<hbm>>
    %dma_wait3A_173 = arith.constant 0 : i32
    %dma_wait3A_174 = arith.constant 0 : i32
    %dma_wait3A_175 = tpu.memref_slice %arg6[%dma_wait3A_164, %dma_wait3A_173, %dma_wait3A_174] : memref<2x64x768xf32, #tpu.memory_space<vmem>> -> memref<1x64x768xf32, #tpu.memory_space<vmem>>
    %dma_wait3A_176 = tpu.memref_squeeze %dma_wait3A_175 : memref<1x64x768xf32, #tpu.memory_space<vmem>> -> memref<64x768xf32, #tpu.memory_space<vmem>>
    tpu.wait_dma2 semaphore(%arg12 : memref<!tpu.dma_semaphore, #tpu.memory_space<semaphore_mem>>) src(%dma_wait3A_176 : memref<64x768xf32, #tpu.memory_space<vmem>>) dst(%dma_wait3A_172 : memref<64x768xf32, #tpu.memory_space<hbm>>)
    %add3A_177 = arith.constant 192 : i32
    %add3A_178 = arith.addi %mul3A_2, %add3A_177 : i32
    %dma_start3A_179 = arith.constant 1 : i32
    %dma_start3A_180 = arith.constant 0 : i32
    %dma_start3A_181 = tpu.memref_slice %arg5[%dma_start3A_179, %dma_start3A_180] : memref<2x64xi32, #tpu.memory_space<vmem>> -> memref<1x64xi32, #tpu.memory_space<vmem>>
    %dma_start3A_182 = tpu.memref_squeeze %dma_start3A_181 : memref<1x64xi32, #tpu.memory_space<vmem>> -> memref<64xi32, #tpu.memory_space<vmem>>
    %dma_start3A_183 = tpu.memref_slice %arg3[%add3A_178] : memref<8192xi32, #tpu.memory_space<hbm>> -> memref<64xi32, #tpu.memory_space<hbm>>
    %dma_start3A_184 = arith.constant 0 : i32
    %dma_start3A_185 = tpu.memref_slice %arg5[%dma_start3A_179, %dma_start3A_184] : memref<2x64xi32, #tpu.memory_space<vmem>> -> memref<1x64xi32, #tpu.memory_space<vmem>>
    %dma_start3A_186 = tpu.memref_squeeze %dma_start3A_185 : memref<1x64xi32, #tpu.memory_space<vmem>> -> memref<64xi32, #tpu.memory_space<vmem>>
    %dma_start3A_187 = tpu.memref_slice %arg3[%add3A_178] : memref<8192xi32, #tpu.memory_space<hbm>> -> memref<64xi32, #tpu.memory_space<hbm>>
    tpu.enqueue_dma source(%dma_start3A_187 : memref<64xi32, #tpu.memory_space<hbm>>) target(%dma_start3A_186 : memref<64xi32, #tpu.memory_space<vmem>>) target_semaphore(%arg10 : memref<!tpu.dma_semaphore, #tpu.memory_space<semaphore_mem>>)
    %dma_wait3A_188 = arith.constant 1 : i32
    %dma_wait3A_189 = arith.constant 0 : i32
    %dma_wait3A_190 = tpu.memref_slice %arg5[%dma_wait3A_188, %dma_wait3A_189] : memref<2x64xi32, #tpu.memory_space<vmem>> -> memref<1x64xi32, #tpu.memory_space<vmem>>
    %dma_wait3A_191 = tpu.memref_squeeze %dma_wait3A_190 : memref<1x64xi32, #tpu.memory_space<vmem>> -> memref<64xi32, #tpu.memory_space<vmem>>
    %dma_wait3A_192 = tpu.memref_slice %arg3[%add3A_178] : memref<8192xi32, #tpu.memory_space<hbm>> -> memref<64xi32, #tpu.memory_space<hbm>>
    %dma_wait3A_193 = arith.constant 0 : i32
    %dma_wait3A_194 = tpu.memref_slice %arg5[%dma_wait3A_188, %dma_wait3A_193] : memref<2x64xi32, #tpu.memory_space<vmem>> -> memref<1x64xi32, #tpu.memory_space<vmem>>
    %dma_wait3A_195 = tpu.memref_squeeze %dma_wait3A_194 : memref<1x64xi32, #tpu.memory_space<vmem>> -> memref<64xi32, #tpu.memory_space<vmem>>
    %dma_wait3A_196 = tpu.memref_slice %arg3[%add3A_178] : memref<8192xi32, #tpu.memory_space<hbm>> -> memref<64xi32, #tpu.memory_space<hbm>>
    tpu.wait_dma2 semaphore(%arg10 : memref<!tpu.dma_semaphore, #tpu.memory_space<semaphore_mem>>) src(%dma_wait3A_196 : memref<64xi32, #tpu.memory_space<hbm>>) dst(%dma_wait3A_195 : memref<64xi32, #tpu.memory_space<vmem>>)
    %dma_start3A_197 = arith.constant 1 : i32
    %dma_start3A_198 = arith.constant 1 : i32
    %dma_start3A_199 = arith.constant 0 : i32
    %dma_start3A_200 = arith.constant 0 : i32
    %dma_start3A_201 = tpu.memref_slice %arg6[%dma_start3A_198, %dma_start3A_199, %dma_start3A_200] : memref<2x64x768xf32, #tpu.memory_space<vmem>> -> memref<1x64x768xf32, #tpu.memory_space<vmem>>
    %dma_start3A_202 = tpu.memref_squeeze %dma_start3A_201 : memref<1x64x768xf32, #tpu.memory_space<vmem>> -> memref<64x768xf32, #tpu.memory_space<vmem>>
    %dma_start3A_203 = arith.constant 0 : i32
    %dma_start3A_204 = tpu.memref_slice %arg5[%dma_start3A_197, %dma_start3A_203] : memref<2x64xi32, #tpu.memory_space<vmem>> -> memref<1x64xi32, #tpu.memory_space<vmem>>
    %dma_start3A_205 = tpu.memref_squeeze %dma_start3A_204 : memref<1x64xi32, #tpu.memory_space<vmem>> -> memref<64xi32, #tpu.memory_space<vmem>>
    %dma_start3A_206 = arith.constant 0 : i32
    %dma_start3A_207 = arith.constant 0 : i32
    %dma_start3A_208 = tpu.memref_slice %arg2[%dma_start3A_206, %dma_start3A_207] : memref<16384x768xf32, #tpu.memory_space<hbm>> -> memref<16384x768xf32, #tpu.memory_space<hbm>>
    tpu.enqueue_indirect_dma source(%dma_start3A_208 : memref<16384x768xf32, #tpu.memory_space<hbm>>) target(%dma_start3A_202 : memref<64x768xf32, #tpu.memory_space<vmem>>) offsets(%dma_start3A_205 : memref<64xi32, #tpu.memory_space<vmem>>) semaphore(%arg8 : memref<!tpu.dma_semaphore, #tpu.memory_space<semaphore_mem>>)
    %dma_wait3A_209 = arith.constant 0 : i32
    %dma_wait3A_210 = arith.constant 0 : i32
    %dma_wait3A_211 = arith.constant 0 : i32
    %dma_wait3A_212 = arith.constant 0 : i32
    %dma_wait3A_213 = tpu.memref_slice %arg6[%dma_wait3A_210, %dma_wait3A_211, %dma_wait3A_212] : memref<2x64x768xf32, #tpu.memory_space<vmem>> -> memref<1x64x768xf32, #tpu.memory_space<vmem>>
    %dma_wait3A_214 = tpu.memref_squeeze %dma_wait3A_213 : memref<1x64x768xf32, #tpu.memory_space<vmem>> -> memref<64x768xf32, #tpu.memory_space<vmem>>
    %dma_wait3A_215 = arith.constant 0 : i32
    %dma_wait3A_216 = tpu.memref_slice %arg5[%dma_wait3A_209, %dma_wait3A_215] : memref<2x64xi32, #tpu.memory_space<vmem>> -> memref<1x64xi32, #tpu.memory_space<vmem>>
    %dma_wait3A_217 = tpu.memref_squeeze %dma_wait3A_216 : memref<1x64xi32, #tpu.memory_space<vmem>> -> memref<64xi32, #tpu.memory_space<vmem>>
    %dma_wait3A_218 = arith.constant 0 : i32
    %dma_wait3A_219 = arith.constant 0 : i32
    %dma_wait3A_220 = tpu.memref_slice %arg2[%dma_wait3A_218, %dma_wait3A_219] : memref<16384x768xf32, #tpu.memory_space<hbm>> -> memref<16384x768xf32, #tpu.memory_space<hbm>>
    tpu.wait_indirect_dma semaphore(%arg7 : memref<!tpu.dma_semaphore, #tpu.memory_space<semaphore_mem>>) src(%dma_wait3A_220 : memref<16384x768xf32, #tpu.memory_space<hbm>>) dst(%dma_wait3A_214 : memref<64x768xf32, #tpu.memory_space<vmem>>)
    %add3A_221 = arith.constant 128 : i32
    %add3A_222 = arith.addi %mul3A_2, %add3A_221 : i32
    %dma_start3A_223 = arith.constant 0 : i32
    %dma_start3A_224 = arith.constant 0 : i32
    %dma_start3A_225 = arith.constant 0 : i32
    %dma_start3A_226 = tpu.memref_slice %arg6[%dma_start3A_223, %dma_start3A_224, %dma_start3A_225] : memref<2x64x768xf32, #tpu.memory_space<vmem>> -> memref<1x64x768xf32, #tpu.memory_space<vmem>>
    %dma_start3A_227 = tpu.memref_squeeze %dma_start3A_226 : memref<1x64x768xf32, #tpu.memory_space<vmem>> -> memref<64x768xf32, #tpu.memory_space<vmem>>
    %dma_start3A_228 = arith.constant 0 : i32
    %dma_start3A_229 = tpu.memref_slice %arg4[%add3A_222, %dma_start3A_228] : memref<8192x768xf32, #tpu.memory_space<hbm>> -> memref<64x768xf32, #tpu.memory_space<hbm>>
    %dma_start3A_230 = arith.constant 0 : i32
    %dma_start3A_231 = tpu.memref_slice %arg4[%add3A_222, %dma_start3A_230] : memref<8192x768xf32, #tpu.memory_space<hbm>> -> memref<64x768xf32, #tpu.memory_space<hbm>>
    %dma_start3A_232 = arith.constant 0 : i32
    %dma_start3A_233 = arith.constant 0 : i32
    %dma_start3A_234 = tpu.memref_slice %arg6[%dma_start3A_223, %dma_start3A_232, %dma_start3A_233] : memref<2x64x768xf32, #tpu.memory_space<vmem>> -> memref<1x64x768xf32, #tpu.memory_space<vmem>>
    %dma_start3A_235 = tpu.memref_squeeze %dma_start3A_234 : memref<1x64x768xf32, #tpu.memory_space<vmem>> -> memref<64x768xf32, #tpu.memory_space<vmem>>
    tpu.enqueue_dma source(%dma_start3A_235 : memref<64x768xf32, #tpu.memory_space<vmem>>) target(%dma_start3A_231 : memref<64x768xf32, #tpu.memory_space<hbm>>) target_semaphore(%arg11 : memref<!tpu.dma_semaphore, #tpu.memory_space<semaphore_mem>>)
    %dma_wait3A_236 = arith.constant 1 : i32
    %dma_wait3A_237 = arith.constant 1 : i32
    %dma_wait3A_238 = arith.constant 0 : i32
    %dma_wait3A_239 = arith.constant 0 : i32
    %dma_wait3A_240 = tpu.memref_slice %arg6[%dma_wait3A_237, %dma_wait3A_238, %dma_wait3A_239] : memref<2x64x768xf32, #tpu.memory_space<vmem>> -> memref<1x64x768xf32, #tpu.memory_space<vmem>>
    %dma_wait3A_241 = tpu.memref_squeeze %dma_wait3A_240 : memref<1x64x768xf32, #tpu.memory_space<vmem>> -> memref<64x768xf32, #tpu.memory_space<vmem>>
    %dma_wait3A_242 = arith.constant 0 : i32
    %dma_wait3A_243 = tpu.memref_slice %arg5[%dma_wait3A_236, %dma_wait3A_242] : memref<2x64xi32, #tpu.memory_space<vmem>> -> memref<1x64xi32, #tpu.memory_space<vmem>>
    %dma_wait3A_244 = tpu.memref_squeeze %dma_wait3A_243 : memref<1x64xi32, #tpu.memory_space<vmem>> -> memref<64xi32, #tpu.memory_space<vmem>>
    %dma_wait3A_245 = arith.constant 0 : i32
    %dma_wait3A_246 = arith.constant 0 : i32
    %dma_wait3A_247 = tpu.memref_slice %arg2[%dma_wait3A_245, %dma_wait3A_246] : memref<16384x768xf32, #tpu.memory_space<hbm>> -> memref<16384x768xf32, #tpu.memory_space<hbm>>
    tpu.wait_indirect_dma semaphore(%arg8 : memref<!tpu.dma_semaphore, #tpu.memory_space<semaphore_mem>>) src(%dma_wait3A_247 : memref<16384x768xf32, #tpu.memory_space<hbm>>) dst(%dma_wait3A_241 : memref<64x768xf32, #tpu.memory_space<vmem>>)
    %add3A_248 = arith.constant 192 : i32
    %add3A_249 = arith.addi %mul3A_2, %add3A_248 : i32
    %dma_start3A_250 = arith.constant 1 : i32
    %dma_start3A_251 = arith.constant 0 : i32
    %dma_start3A_252 = arith.constant 0 : i32
    %dma_start3A_253 = tpu.memref_slice %arg6[%dma_start3A_250, %dma_start3A_251, %dma_start3A_252] : memref<2x64x768xf32, #tpu.memory_space<vmem>> -> memref<1x64x768xf32, #tpu.memory_space<vmem>>
    %dma_start3A_254 = tpu.memref_squeeze %dma_start3A_253 : memref<1x64x768xf32, #tpu.memory_space<vmem>> -> memref<64x768xf32, #tpu.memory_space<vmem>>
    %dma_start3A_255 = arith.constant 0 : i32
    %dma_start3A_256 = tpu.memref_slice %arg4[%add3A_249, %dma_start3A_255] : memref<8192x768xf32, #tpu.memory_space<hbm>> -> memref<64x768xf32, #tpu.memory_space<hbm>>
    %dma_start3A_257 = arith.constant 0 : i32
    %dma_start3A_258 = tpu.memref_slice %arg4[%add3A_249, %dma_start3A_257] : memref<8192x768xf32, #tpu.memory_space<hbm>> -> memref<64x768xf32, #tpu.memory_space<hbm>>
    %dma_start3A_259 = arith.constant 0 : i32
    %dma_start3A_260 = arith.constant 0 : i32
    %dma_start3A_261 = tpu.memref_slice %arg6[%dma_start3A_250, %dma_start3A_259, %dma_start3A_260] : memref<2x64x768xf32, #tpu.memory_space<vmem>> -> memref<1x64x768xf32, #tpu.memory_space<vmem>>
    %dma_start3A_262 = tpu.memref_squeeze %dma_start3A_261 : memref<1x64x768xf32, #tpu.memory_space<vmem>> -> memref<64x768xf32, #tpu.memory_space<vmem>>
    tpu.enqueue_dma source(%dma_start3A_262 : memref<64x768xf32, #tpu.memory_space<vmem>>) target(%dma_start3A_258 : memref<64x768xf32, #tpu.memory_space<hbm>>) target_semaphore(%arg12 : memref<!tpu.dma_semaphore, #tpu.memory_space<semaphore_mem>>)
    %dma_wait3A_263 = arith.constant 0 : i32
    %dma_wait3A_264 = arith.constant 0 : i32
    %dma_wait3A_265 = arith.constant 0 : i32
    %dma_wait3A_266 = tpu.memref_slice %arg6[%dma_wait3A_263, %dma_wait3A_264, %dma_wait3A_265] : memref<2x64x768xf32, #tpu.memory_space<vmem>> -> memref<1x64x768xf32, #tpu.memory_space<vmem>>
    %dma_wait3A_267 = tpu.memref_squeeze %dma_wait3A_266 : memref<1x64x768xf32, #tpu.memory_space<vmem>> -> memref<64x768xf32, #tpu.memory_space<vmem>>
    %dma_wait3A_268 = arith.constant 0 : i32
    %dma_wait3A_269 = tpu.memref_slice %arg4[%add3A_222, %dma_wait3A_268] : memref<8192x768xf32, #tpu.memory_space<hbm>> -> memref<64x768xf32, #tpu.memory_space<hbm>>
    %dma_wait3A_270 = arith.constant 0 : i32
    %dma_wait3A_271 = tpu.memref_slice %arg4[%add3A_222, %dma_wait3A_270] : memref<8192x768xf32, #tpu.memory_space<hbm>> -> memref<64x768xf32, #tpu.memory_space<hbm>>
    %dma_wait3A_272 = arith.constant 0 : i32
    %dma_wait3A_273 = arith.constant 0 : i32
    %dma_wait3A_274 = tpu.memref_slice %arg6[%dma_wait3A_263, %dma_wait3A_272, %dma_wait3A_273] : memref<2x64x768xf32, #tpu.memory_space<vmem>> -> memref<1x64x768xf32, #tpu.memory_space<vmem>>
    %dma_wait3A_275 = tpu.memref_squeeze %dma_wait3A_274 : memref<1x64x768xf32, #tpu.memory_space<vmem>> -> memref<64x768xf32, #tpu.memory_space<vmem>>
    tpu.wait_dma2 semaphore(%arg11 : memref<!tpu.dma_semaphore, #tpu.memory_space<semaphore_mem>>) src(%dma_wait3A_275 : memref<64x768xf32, #tpu.memory_space<vmem>>) dst(%dma_wait3A_271 : memref<64x768xf32, #tpu.memory_space<hbm>>)
    %dma_wait3A_276 = arith.constant 1 : i32
    %dma_wait3A_277 = arith.constant 0 : i32
    %dma_wait3A_278 = arith.constant 0 : i32
    %dma_wait3A_279 = tpu.memref_slice %arg6[%dma_wait3A_276, %dma_wait3A_277, %dma_wait3A_278] : memref<2x64x768xf32, #tpu.memory_space<vmem>> -> memref<1x64x768xf32, #tpu.memory_space<vmem>>
    %dma_wait3A_280 = tpu.memref_squeeze %dma_wait3A_279 : memref<1x64x768xf32, #tpu.memory_space<vmem>> -> memref<64x768xf32, #tpu.memory_space<vmem>>
    %dma_wait3A_281 = arith.constant 0 : i32
    %dma_wait3A_282 = tpu.memref_slice %arg4[%add3A_249, %dma_wait3A_281] : memref<8192x768xf32, #tpu.memory_space<hbm>> -> memref<64x768xf32, #tpu.memory_space<hbm>>
    %dma_wait3A_283 = arith.constant 0 : i32
    %dma_wait3A_284 = tpu.memref_slice %arg4[%add3A_249, %dma_wait3A_283] : memref<8192x768xf32, #tpu.memory_space<hbm>> -> memref<64x768xf32, #tpu.memory_space<hbm>>
    %dma_wait3A_285 = arith.constant 0 : i32
    %dma_wait3A_286 = arith.constant 0 : i32
    %dma_wait3A_287 = tpu.memref_slice %arg6[%dma_wait3A_276, %dma_wait3A_285, %dma_wait3A_286] : memref<2x64x768xf32, #tpu.memory_space<vmem>> -> memref<1x64x768xf32, #tpu.memory_space<vmem>>
    %dma_wait3A_288 = tpu.memref_squeeze %dma_wait3A_287 : memref<1x64x768xf32, #tpu.memory_space<vmem>> -> memref<64x768xf32, #tpu.memory_space<vmem>>
    tpu.wait_dma2 semaphore(%arg12 : memref<!tpu.dma_semaphore, #tpu.memory_space<semaphore_mem>>) src(%dma_wait3A_288 : memref<64x768xf32, #tpu.memory_space<vmem>>) dst(%dma_wait3A_284 : memref<64x768xf32, #tpu.memory_space<hbm>>)
    return
  }
}

module attributes {stable_mosaic.version = 14 : i64} {
  func.func @_router_body(%arg0: i32, %arg1: memref<256x768xf32, #tpu.memory_space<vmem>>, %arg2: memref<768x64xf32, #tpu.memory_space<vmem>>, %arg3: memref<1x256x1xi32, #tpu.memory_space<vmem>>, %arg4: memref<1x256x1xi32, #tpu.memory_space<vmem>>, %arg5: memref<8x128xi32, #tpu.memory_space<vmem>>) attributes {dimension_semantics = [#tpu.dimension_semantics<arbitrary>], iteration_bounds = array<i64: 32>, scalar_prefetch = 0 : i64, scratch_operands = 0 : i64, tpu.core_type = #tpu.core_type<tc>, window_params = [{transform_indices = @transform_0, window_bounds = array<i64: 256, 768>}, {pipeline_mode = #tpu.pipeline_mode<synchronous>, transform_indices = @transform_1, window_bounds = array<i64: 768, 64>}, {transform_indices = @transform_2, window_bounds = array<i64: 1, 256, 1>}, {transform_indices = @transform_3, window_bounds = array<i64: 1, 256, 1>}, {pipeline_mode = #tpu.pipeline_mode<synchronous>, transform_indices = @transform_4, window_bounds = array<i64: 8, 128>}]} {
    %eq3A = arith.constant 0 : i32
    %eq3A_0 = arith.cmpi eq, %arg0, %eq3A : i32
    %convert_element_type3A = arith.extui %eq3A_0 : i1 to i32
    %cond3A = arith.constant 0 : i32
    %cond3A_1 = arith.cmpi ne, %convert_element_type3A, %cond3A : i32
    scf.if %cond3A_1 {
      %broadcast_in_dim3A_57 = arith.constant 0 : i32
      %broadcast_in_dim3A_58 = vector.broadcast %broadcast_in_dim3A_57 : i32 to vector<8x128xi32>
      %swap3A_59 = arith.constant 0 : index
      %swap3A_60 = arith.constant 0 : index
      %swap3A_61 = vector.load %arg5[%swap3A_59, %swap3A_60] : memref<8x128xi32, #tpu.memory_space<vmem>>, vector<8x128xi32>
      tpu.vector_store %arg5[%swap3A_59, %swap3A_60], %broadcast_in_dim3A_58 {strides = array<i32>} : memref<8x128xi32, #tpu.memory_space<vmem>>, vector<8x128xi32>,
    } else {
    }
    %get3A = arith.constant 0 : index
    %get3A_2 = arith.constant 0 : index
    %get3A_3 = vector.load %arg1[%get3A, %get3A_2] : memref<256x768xf32, #tpu.memory_space<vmem>>, vector<256x768xf32>
    %get3A_4 = arith.constant 0 : index
    %get3A_5 = arith.constant 0 : index
    %get3A_6 = vector.load %arg2[%get3A_4, %get3A_5] : memref<768x64xf32, #tpu.memory_space<vmem>>, vector<768x64xf32>
    %dot_general3A = arith.constant dense<0.000000e+00> : vector<256x64xf32>
    %dot_general3A_7 = tpu.matmul %get3A_3, %get3A_6, %dot_general3A {dimension_numbers = #tpu.dot_dimension_numbers<[1], [0], [0], [1], [0, 0, 1, 1], [], []>, transpose_lhs_hint = false} : vector<256x768xf32>, vector<768x64xf32>, vector<256x64xf32> -> vector<256x64xf32>
    %reduce_max3A = arith.constant dense<0xFF800000> : vector<256xf32>
    %reduce_max3A_8 = vector.multi_reduction <maximumf>, %dot_general3A_7, %reduce_max3A [1] : vector<256x64xf32> to vector<256xf32>
    %broadcast_in_dim3A = vector.shape_cast %reduce_max3A_8 : vector<256xf32> to vector<256x1xf32>
    %iota3A = tpu.iota {dimensions = array<i32: 1>} : vector<256x64xi32>
    %eq3A_9 = vector.broadcast %broadcast_in_dim3A : vector<256x1xf32> to vector<256x64xf32>
    %eq3A_10 = arith.cmpf oeq, %dot_general3A_7, %eq3A_9 : vector<256x64xf32>
    %jit3A = arith.constant 64 : i32
    %broadcast_in_dim3A_11 = vector.broadcast %jit3A : i32 to vector<256x64xi32>
    %select_n3A = arith.select %eq3A_10, %iota3A, %broadcast_in_dim3A_11 : vector<256x64xi1>, vector<256x64xi32>
    %reduce_min3A = arith.constant dense<2147483647> : vector<256xi32>
    %reduce_min3A_12 = vector.multi_reduction <minsi>, %select_n3A, %reduce_min3A [1] : vector<256x64xi32> to vector<256xi32>
    %broadcast_in_dim3A_13 = vector.shape_cast %reduce_min3A_12 : vector<256xi32> to vector<256x1xi32>
    %eq3A_14 = vector.broadcast %broadcast_in_dim3A_13 : vector<256x1xi32> to vector<256x64xi32>
    %eq3A_15 = arith.cmpi eq, %eq3A_14, %iota3A : vector<256x64xi32>
    %jit3A_16 = arith.constant 1.000000e+00 : f32
    %jit3A_17 = arith.constant 0.000000e+00 : f32
    %broadcast_in_dim3A_18 = vector.broadcast %jit3A_16 : f32 to vector<256x64xf32>
    %broadcast_in_dim3A_19 = vector.broadcast %jit3A_17 : f32 to vector<256x64xf32>
    %select_n3A_20 = arith.select %eq3A_15, %broadcast_in_dim3A_18, %broadcast_in_dim3A_19 : vector<256x64xi1>, vector<256x64xf32>
    %iota3A_21 = tpu.iota {dimensions = array<i32: 0>} : vector<256x256xi32>
    %iota3A_22 = tpu.iota {dimensions = array<i32: 1>} : vector<256x256xi32>
    %lt3A = arith.cmpi slt, %iota3A_22, %iota3A_21 : vector<256x256xi32>
    %jit3A_23 = arith.constant 1.000000e+00 : f32
    %jit3A_24 = arith.constant 0.000000e+00 : f32
    %broadcast_in_dim3A_25 = vector.broadcast %jit3A_23 : f32 to vector<256x256xf32>
    %broadcast_in_dim3A_26 = vector.broadcast %jit3A_24 : f32 to vector<256x256xf32>
    %select_n3A_27 = arith.select %lt3A, %broadcast_in_dim3A_25, %broadcast_in_dim3A_26 : vector<256x256xi1>, vector<256x256xf32>
    %dot_general3A_28 = arith.constant dense<0.000000e+00> : vector<256x64xf32>
    %dot_general3A_29 = tpu.matmul %select_n3A_27, %select_n3A_20, %dot_general3A_28 {dimension_numbers = #tpu.dot_dimension_numbers<[1], [0], [0], [1], [0, 0, 1, 1], [], []>, transpose_lhs_hint = false} : vector<256x256xf32>, vector<256x64xf32>, vector<256x64xf32> -> vector<256x64xf32>
    %get3A_30 = arith.constant 0 : index
    %get3A_31 = arith.constant 0 : index
    %get3A_32 = vector.load %arg5[%get3A_30, %get3A_31] : memref<8x128xi32, #tpu.memory_space<vmem>>, vector<1x64xi32>
    %convert_element_type3A_33 = arith.sitofp %get3A_32 : vector<1x64xi32> to vector<1x64xf32>
    %add3A = vector.broadcast %convert_element_type3A_33 : vector<1x64xf32> to vector<256x64xf32>
    %add3A_34 = arith.addf %dot_general3A_29, %add3A : vector<256x64xf32>
    %mul3A = arith.mulf %select_n3A_20, %add3A_34 : vector<256x64xf32>
    %reduce_sum3A = arith.constant dense<0.000000e+00> : vector<256xf32>
    %reduce_sum3A_35 = vector.multi_reduction <add>, %mul3A, %reduce_sum3A [1] : vector<256x64xf32> to vector<256xf32>
    %broadcast_in_dim3A_36 = vector.shape_cast %reduce_sum3A_35 : vector<256xf32> to vector<256x1xf32>
    %reduce_sum3A_37 = arith.constant dense<0.000000e+00> : vector<64xf32>
    %reduce_sum3A_38 = vector.multi_reduction <add>, %select_n3A_20, %reduce_sum3A_37 [0] : vector<256x64xf32> to vector<64xf32>
    %broadcast_in_dim3A_39 = vector.shape_cast %reduce_sum3A_38 : vector<64xf32> to vector<1x64xf32>
    %add3A_40 = arith.addf %convert_element_type3A_33, %broadcast_in_dim3A_39 : vector<1x64xf32>
    %convert_element_type3A_41 = arith.fptosi %add3A_40 : vector<1x64xf32> to vector<1x64xi32>
    %swap3A = arith.constant 0 : index
    %swap3A_42 = arith.constant 0 : index
    %swap3A_43 = vector.load %arg5[%swap3A, %swap3A_42] : memref<8x128xi32, #tpu.memory_space<vmem>>, vector<1x64xi32>
    tpu.vector_store %arg5[%swap3A, %swap3A_42], %convert_element_type3A_41 {strides = array<i32>} : memref<8x128xi32, #tpu.memory_space<vmem>>, vector<1x64xi32>,
    %swap3A_44 = arith.constant 0 : index
    %swap3A_45 = arith.constant 0 : index
    %swap3A_46 = arith.constant 0 : index
    %swap3A_47 = vector.load %arg3[%swap3A_44, %swap3A_45, %swap3A_46] : memref<1x256x1xi32, #tpu.memory_space<vmem>>, vector<1x256x1xi32>
    %swap3A_48 = vector.shape_cast %swap3A_47 : vector<1x256x1xi32> to vector<256x1xi32>
    %swap3A_49 = vector.shape_cast %broadcast_in_dim3A_13 : vector<256x1xi32> to vector<1x256x1xi32>
    tpu.vector_store %arg3[%swap3A_44, %swap3A_45, %swap3A_46], %swap3A_49 {strides = array<i32>} : memref<1x256x1xi32, #tpu.memory_space<vmem>>, vector<1x256x1xi32>,
    %convert_element_type3A_50 = arith.fptosi %broadcast_in_dim3A_36 : vector<256x1xf32> to vector<256x1xi32>
    %swap3A_51 = arith.constant 0 : index
    %swap3A_52 = arith.constant 0 : index
    %swap3A_53 = arith.constant 0 : index
    %swap3A_54 = vector.load %arg4[%swap3A_51, %swap3A_52, %swap3A_53] : memref<1x256x1xi32, #tpu.memory_space<vmem>>, vector<1x256x1xi32>
    %swap3A_55 = vector.shape_cast %swap3A_54 : vector<1x256x1xi32> to vector<256x1xi32>
    %swap3A_56 = vector.shape_cast %convert_element_type3A_50 : vector<256x1xi32> to vector<1x256x1xi32>
    tpu.vector_store %arg4[%swap3A_51, %swap3A_52, %swap3A_53], %swap3A_56 {strides = array<i32>} : memref<1x256x1xi32, #tpu.memory_space<vmem>>, vector<1x256x1xi32>,
    return
  }
  func.func @transform_0(%arg0: i32) -> (i32, i32) {
    %c0_i32 = arith.constant 0 : i32
    %c0_i32_0 = arith.constant 0 : i32
    return %arg0, %c0_i32 : i32, i32
  }
  func.func @transform_1(%arg0: i32) -> (i32, i32) {
    %c0_i32 = arith.constant 0 : i32
    %c0_i32_0 = arith.constant 0 : i32
    %c0_i32_1 = arith.constant 0 : i32
    return %c0_i32, %c0_i32_0 : i32, i32
  }
  func.func @transform_2(%arg0: i32) -> (i32, i32, i32) {
    %c0_i32 = arith.constant 0 : i32
    %c0_i32_0 = arith.constant 0 : i32
    %c0_i32_1 = arith.constant 0 : i32
    return %arg0, %c0_i32, %c0_i32_0 : i32, i32, i32
  }
  func.func @transform_3(%arg0: i32) -> (i32, i32, i32) {
    %c0_i32 = arith.constant 0 : i32
    %c0_i32_0 = arith.constant 0 : i32
    %c0_i32_1 = arith.constant 0 : i32
    return %arg0, %c0_i32, %c0_i32_0 : i32, i32, i32
  }
  func.func @transform_4(%arg0: i32) -> (i32, i32) {
    %c0_i32 = arith.constant 0 : i32
    %c0_i32_0 = arith.constant 0 : i32
    %c0_i32_1 = arith.constant 0 : i32
    return %c0_i32, %c0_i32_0 : i32, i32
  }
}

module attributes {stable_mosaic.version = 14 : i64} {
  func.func @_bin_body(%arg0: i32, %arg1: memref<8x128xi32, #tpu.memory_space<vmem>>, %arg2: memref<1x256x1xi32, #tpu.memory_space<vmem>>, %arg3: memref<1x256x1xi32, #tpu.memory_space<vmem>>, %arg4: memref<1x256x1xi32, #tpu.memory_space<vmem>>, %arg5: memref<8x128xi32, #tpu.memory_space<vmem>>) attributes {dimension_semantics = [#tpu.dimension_semantics<arbitrary>], iteration_bounds = array<i64: 32>, scalar_prefetch = 0 : i64, scratch_operands = 0 : i64, tpu.core_type = #tpu.core_type<tc>, window_params = [{pipeline_mode = #tpu.pipeline_mode<synchronous>, transform_indices = @transform_0, window_bounds = array<i64: 8, 128>}, {transform_indices = @transform_1, window_bounds = array<i64: 1, 256, 1>}, {transform_indices = @transform_2, window_bounds = array<i64: 1, 256, 1>}, {transform_indices = @transform_3, window_bounds = array<i64: 1, 256, 1>}, {pipeline_mode = #tpu.pipeline_mode<synchronous>, transform_indices = @transform_4, window_bounds = array<i64: 8, 128>}]} {
    %get3A = arith.constant 0 : index
    %get3A_0 = arith.constant 0 : index
    %get3A_1 = vector.load %arg1[%get3A, %get3A_0] : memref<8x128xi32, #tpu.memory_space<vmem>>, vector<1x128xi32>
    %add3A = arith.constant 127 : i32
    %add3A_2 = vector.broadcast %add3A : i32 to vector<1x128xi32>
    %add3A_3 = arith.addi %get3A_1, %add3A_2 : vector<1x128xi32>
    %jit3A = arith.constant 128 : i32
    %div3A = vector.broadcast %jit3A : i32 to vector<1x128xi32>
    %div3A_4 = arith.divsi %add3A_3, %div3A : vector<1x128xi32>
    %sign3A = arith.constant 0 : i32
    %sign3A_5 = vector.broadcast %sign3A : i32 to vector<1x128xi32>
    %sign3A_6 = arith.cmpi sgt, %add3A_3, %sign3A_5 : vector<1x128xi32>
    %sign3A_7 = arith.extui %sign3A_6 : vector<1x128xi1> to vector<1x128xi32>
    %sign3A_8 = arith.constant 0 : i32
    %sign3A_9 = vector.broadcast %sign3A_8 : i32 to vector<1x128xi32>
    %sign3A_10 = arith.cmpi slt, %add3A_3, %sign3A_9 : vector<1x128xi32>
    %sign3A_11 = arith.extui %sign3A_10 : vector<1x128xi1> to vector<1x128xi32>
    %sign3A_12 = arith.subi %sign3A_7, %sign3A_11 : vector<1x128xi32>
    %sign3A_13 = arith.constant 0 : i32
    %sign3A_14 = arith.cmpi sgt, %jit3A, %sign3A_13 : i32
    %sign3A_15 = arith.extui %sign3A_14 : i1 to i32
    %sign3A_16 = arith.constant 0 : i32
    %sign3A_17 = arith.cmpi slt, %jit3A, %sign3A_16 : i32
    %sign3A_18 = arith.extui %sign3A_17 : i1 to i32
    %sign3A_19 = arith.subi %sign3A_15, %sign3A_18 : i32
    %ne3A = vector.broadcast %sign3A_19 : i32 to vector<1x128xi32>
    %ne3A_20 = arith.cmpi ne, %sign3A_12, %ne3A : vector<1x128xi32>
    %rem3A = vector.broadcast %jit3A : i32 to vector<1x128xi32>
    %rem3A_21 = arith.remsi %add3A_3, %rem3A : vector<1x128xi32>
    %ne3A_22 = arith.constant 0 : i32
    %ne3A_23 = vector.broadcast %ne3A_22 : i32 to vector<1x128xi32>
    %ne3A_24 = arith.cmpi ne, %rem3A_21, %ne3A_23 : vector<1x128xi32>
    %and3A = arith.andi %ne3A_20, %ne3A_24 : vector<1x128xi1>
    %sub3A = arith.constant 1 : i32
    %sub3A_25 = vector.broadcast %sub3A : i32 to vector<1x128xi32>
    %sub3A_26 = arith.subi %div3A_4, %sub3A_25 : vector<1x128xi32>
    %select_n3A = arith.select %and3A, %sub3A_26, %div3A_4 : vector<1x128xi1>, vector<1x128xi32>
    %mul3A = arith.constant 128 : i32
    %mul3A_27 = vector.broadcast %mul3A : i32 to vector<1x128xi32>
    %mul3A_28 = arith.muli %select_n3A, %mul3A_27 : vector<1x128xi32>
    %convert_element_type3A = arith.sitofp %mul3A_28 : vector<1x128xi32> to vector<1x128xf32>
    %iota3A = tpu.iota {dimensions = array<i32: 0>} : vector<128x128xi32>
    %iota3A_29 = tpu.iota {dimensions = array<i32: 1>} : vector<128x128xi32>
    %le3A = arith.cmpi sle, %iota3A, %iota3A_29 : vector<128x128xi32>
    %jit3A_30 = arith.constant 1.000000e+00 : f32
    %jit3A_31 = arith.constant 0.000000e+00 : f32
    %broadcast_in_dim3A = vector.broadcast %jit3A_30 : f32 to vector<128x128xf32>
    %broadcast_in_dim3A_32 = vector.broadcast %jit3A_31 : f32 to vector<128x128xf32>
    %select_n3A_33 = arith.select %le3A, %broadcast_in_dim3A, %broadcast_in_dim3A_32 : vector<128x128xi1>, vector<128x128xf32>
    %dot_general3A = arith.constant dense<0.000000e+00> : vector<1x128xf32>
    %dot_general3A_34 = tpu.matmul %convert_element_type3A, %select_n3A_33, %dot_general3A {dimension_numbers = #tpu.dot_dimension_numbers<[1], [0], [0], [1], [0, 0, 1, 1], [], []>, transpose_lhs_hint = false} : vector<1x128xf32>, vector<128x128xf32>, vector<1x128xf32> -> vector<1x128xf32>
    %sub3A_35 = arith.subf %dot_general3A_34, %convert_element_type3A : vector<1x128xf32>
    %iota3A_36 = tpu.iota {dimensions = array<i32: 1>} : vector<256x64xi32>
    %get3A_37 = arith.constant 0 : index
    %get3A_38 = arith.constant 0 : index
    %get3A_39 = arith.constant 0 : index
    %get3A_40 = vector.load %arg2[%get3A_37, %get3A_38, %get3A_39] : memref<1x256x1xi32, #tpu.memory_space<vmem>>, vector<1x256x1xi32>
    %get3A_41 = vector.shape_cast %get3A_40 : vector<1x256x1xi32> to vector<256x1xi32>
    %eq3A = vector.broadcast %get3A_41 : vector<256x1xi32> to vector<256x64xi32>
    %eq3A_42 = arith.cmpi eq, %eq3A, %iota3A_36 : vector<256x64xi32>
    %slice3A = vector.extract_strided_slice %sub3A_35 {offsets = [0, 0], sizes = [1, 64], strides = [1, 1]} : vector<1x128xf32> to vector<1x64xf32>
    %jit3A_43 = arith.constant 0.000000e+00 : f32
    %broadcast_in_dim3A_44 = vector.shape_cast %slice3A : vector<1x64xf32> to vector<1x64xf32>
    %broadcast_in_dim3A_45 = vector.broadcast %broadcast_in_dim3A_44 : vector<1x64xf32> to vector<256x64xf32>
    %broadcast_in_dim3A_46 = vector.broadcast %jit3A_43 : f32 to vector<256x64xf32>
    %select_n3A_47 = arith.select %eq3A_42, %broadcast_in_dim3A_45, %broadcast_in_dim3A_46 : vector<256x64xi1>, vector<256x64xf32>
    %reduce_sum3A = arith.constant dense<0.000000e+00> : vector<256xf32>
    %reduce_sum3A_48 = vector.multi_reduction <add>, %select_n3A_47, %reduce_sum3A [1] : vector<256x64xf32> to vector<256xf32>
    %broadcast_in_dim3A_49 = vector.shape_cast %reduce_sum3A_48 : vector<256xf32> to vector<256x1xf32>
    %convert_element_type3A_50 = arith.fptosi %broadcast_in_dim3A_49 : vector<256x1xf32> to vector<256x1xi32>
    %get3A_51 = arith.constant 0 : index
    %get3A_52 = arith.constant 0 : index
    %get3A_53 = arith.constant 0 : index
    %get3A_54 = vector.load %arg3[%get3A_51, %get3A_52, %get3A_53] : memref<1x256x1xi32, #tpu.memory_space<vmem>>, vector<1x256x1xi32>
    %get3A_55 = vector.shape_cast %get3A_54 : vector<1x256x1xi32> to vector<256x1xi32>
    %add3A_56 = arith.addi %convert_element_type3A_50, %get3A_55 : vector<256x1xi32>
    %swap3A = arith.constant 0 : index
    %swap3A_57 = arith.constant 0 : index
    %swap3A_58 = arith.constant 0 : index
    %swap3A_59 = vector.load %arg4[%swap3A, %swap3A_57, %swap3A_58] : memref<1x256x1xi32, #tpu.memory_space<vmem>>, vector<1x256x1xi32>
    %swap3A_60 = vector.shape_cast %swap3A_59 : vector<1x256x1xi32> to vector<256x1xi32>
    %swap3A_61 = vector.shape_cast %add3A_56 : vector<256x1xi32> to vector<1x256x1xi32>
    tpu.vector_store %arg4[%swap3A, %swap3A_57, %swap3A_58], %swap3A_61 {strides = array<i32>} : memref<1x256x1xi32, #tpu.memory_space<vmem>>, vector<1x256x1xi32>,
    %eq3A_62 = arith.constant 0 : i32
    %eq3A_63 = arith.cmpi eq, %arg0, %eq3A_62 : i32
    %convert_element_type3A_64 = arith.extui %eq3A_63 : i1 to i32
    %cond3A = arith.constant 0 : i32
    %cond3A_65 = arith.cmpi ne, %convert_element_type3A_64, %cond3A : i32
    scf.if %cond3A_65 {
      %slice3A_66 = vector.extract_strided_slice %dot_general3A_34 {offsets = [0, 127], sizes = [1, 1], strides = [1, 1]} : vector<1x128xf32> to vector<1x1xf32>
      %eq3A_67 = arith.cmpi eq, %iota3A, %iota3A_29 : vector<128x128xi32>
      %jit3A_68 = arith.constant 1.000000e+00 : f32
      %jit3A_69 = arith.constant 0.000000e+00 : f32
      %broadcast_in_dim3A_70 = vector.broadcast %jit3A_68 : f32 to vector<128x128xf32>
      %broadcast_in_dim3A_71 = vector.broadcast %jit3A_69 : f32 to vector<128x128xf32>
      %select_n3A_72 = arith.select %eq3A_67, %broadcast_in_dim3A_70, %broadcast_in_dim3A_71 : vector<128x128xi1>, vector<128x128xf32>
      %dot_general3A_73 = arith.constant dense<0.000000e+00> : vector<128x1xf32>
      %dot_general3A_74 = tpu.matmul %select_n3A_72, %dot_general3A_34, %dot_general3A_73 {dimension_numbers = #tpu.dot_dimension_numbers<[1], [1], [0], [0], [0, 0, 1, 0], [], []>, transpose_lhs_hint = false} : vector<128x128xf32>, vector<1x128xf32>, vector<128x1xf32> -> vector<128x1xf32>
      %iota3A_75 = tpu.iota {dimensions = array<i32: 1>} : vector<1x128xi32>
      %convert_element_type3A_76 = arith.sitofp %iota3A_75 : vector<1x128xi32> to vector<1x128xf32>
      %mul3A_77 = arith.constant 1.280000e+02 : f32
      %mul3A_78 = vector.broadcast %mul3A_77 : f32 to vector<1x128xf32>
      %mul3A_79 = arith.mulf %convert_element_type3A_76, %mul3A_78 : vector<1x128xf32>
      %sub3A_80 = arith.constant 1.280000e+02 : f32
      %sub3A_81 = vector.broadcast %sub3A_80 : f32 to vector<1x1xf32>
      %sub3A_82 = arith.subf %slice3A_66, %sub3A_81 : vector<1x1xf32>
      %min3A = vector.broadcast %sub3A_82 : vector<1x1xf32> to vector<1x128xf32>
      %min3A_83 = arith.minimumf %mul3A_79, %min3A : vector<1x128xf32>
      %le3A_84 = vector.broadcast %dot_general3A_74 : vector<128x1xf32> to vector<128x128xf32>
      %le3A_85 = vector.broadcast %min3A_83 : vector<1x128xf32> to vector<128x128xf32>
      %le3A_86 = arith.cmpf ole, %le3A_84, %le3A_85 : vector<128x128xf32>
      %jit3A_87 = arith.constant 1.000000e+00 : f32
      %jit3A_88 = arith.constant 0.000000e+00 : f32
      %broadcast_in_dim3A_89 = vector.broadcast %jit3A_87 : f32 to vector<128x128xf32>
      %broadcast_in_dim3A_90 = vector.broadcast %jit3A_88 : f32 to vector<128x128xf32>
      %select_n3A_91 = arith.select %le3A_86, %broadcast_in_dim3A_89, %broadcast_in_dim3A_90 : vector<128x128xi1>, vector<128x128xf32>
      %reduce_sum3A_92 = arith.constant dense<0.000000e+00> : vector<128xf32>
      %reduce_sum3A_93 = vector.multi_reduction <add>, %select_n3A_91, %reduce_sum3A_92 [0] : vector<128x128xf32> to vector<128xf32>
      %broadcast_in_dim3A_94 = vector.shape_cast %reduce_sum3A_93 : vector<128xf32> to vector<1x128xf32>
      %mul3A_95 = arith.constant 7.812500e-03 : f32
      %mul3A_96 = vector.broadcast %mul3A_95 : f32 to vector<1x1xf32>
      %mul3A_97 = arith.mulf %slice3A_66, %mul3A_96 : vector<1x1xf32>
      %sub3A_98 = arith.constant 1.000000e+00 : f32
      %sub3A_99 = vector.broadcast %sub3A_98 : f32 to vector<1x1xf32>
      %sub3A_100 = arith.subf %mul3A_97, %sub3A_99 : vector<1x1xf32>
      %min3A_101 = vector.broadcast %sub3A_100 : vector<1x1xf32> to vector<1x128xf32>
      %min3A_102 = arith.minimumf %convert_element_type3A_76, %min3A_101 : vector<1x128xf32>
      %convert_element_type3A_103 = arith.fptosi %broadcast_in_dim3A_94 : vector<1x128xf32> to vector<1x128xi32>
      %swap3A_104 = arith.constant 0 : index
      %swap3A_105 = arith.constant 0 : index
      %swap3A_106 = vector.load %arg5[%swap3A_104, %swap3A_105] : memref<8x128xi32, #tpu.memory_space<vmem>>, vector<1x128xi32>
      tpu.vector_store %arg5[%swap3A_104, %swap3A_105], %convert_element_type3A_103 {strides = array<i32>} : memref<8x128xi32, #tpu.memory_space<vmem>>, vector<1x128xi32>,
      %convert_element_type3A_107 = arith.fptosi %min3A_102 : vector<1x128xf32> to vector<1x128xi32>
      %swap3A_108 = arith.constant 1 : index
      %swap3A_109 = arith.constant 0 : index
      %swap3A_110 = vector.load %arg5[%swap3A_108, %swap3A_109] : memref<8x128xi32, #tpu.memory_space<vmem>>, vector<1x128xi32>
      tpu.vector_store %arg5[%swap3A_108, %swap3A_109], %convert_element_type3A_107 {strides = array<i32>} : memref<8x128xi32, #tpu.memory_space<vmem>>, vector<1x128xi32>,
      %convert_element_type3A_111 = arith.fptosi %mul3A_97 : vector<1x1xf32> to vector<1x1xi32>
      %broadcast_in_dim3A_112 = vector.shape_cast %convert_element_type3A_111 : vector<1x1xi32> to vector<1x1xi32>
      %broadcast_in_dim3A_113 = vector.broadcast %broadcast_in_dim3A_112 : vector<1x1xi32> to vector<1x128xi32>
      %swap3A_114 = arith.constant 2 : index
      %swap3A_115 = arith.constant 0 : index
      %swap3A_116 = vector.load %arg5[%swap3A_114, %swap3A_115] : memref<8x128xi32, #tpu.memory_space<vmem>>, vector<1x128xi32>
      tpu.vector_store %arg5[%swap3A_114, %swap3A_115], %broadcast_in_dim3A_113 {strides = array<i32>} : memref<8x128xi32, #tpu.memory_space<vmem>>, vector<1x128xi32>,
    } else {
    }
    return
  }
  func.func @transform_0(%arg0: i32) -> (i32, i32) {
    %c0_i32 = arith.constant 0 : i32
    %c0_i32_0 = arith.constant 0 : i32
    %c0_i32_1 = arith.constant 0 : i32
    return %c0_i32, %c0_i32_0 : i32, i32
  }
  func.func @transform_1(%arg0: i32) -> (i32, i32, i32) {
    %c0_i32 = arith.constant 0 : i32
    %c0_i32_0 = arith.constant 0 : i32
    %c0_i32_1 = arith.constant 0 : i32
    return %arg0, %c0_i32, %c0_i32_0 : i32, i32, i32
  }
  func.func @transform_2(%arg0: i32) -> (i32, i32, i32) {
    %c0_i32 = arith.constant 0 : i32
    %c0_i32_0 = arith.constant 0 : i32
    %c0_i32_1 = arith.constant 0 : i32
    return %arg0, %c0_i32, %c0_i32_0 : i32, i32, i32
  }
  func.func @transform_3(%arg0: i32) -> (i32, i32, i32) {
    %c0_i32 = arith.constant 0 : i32
    %c0_i32_0 = arith.constant 0 : i32
    %c0_i32_1 = arith.constant 0 : i32
    return %arg0, %c0_i32, %c0_i32_0 : i32, i32, i32
  }
  func.func @transform_4(%arg0: i32) -> (i32, i32) {
    %c0_i32 = arith.constant 0 : i32
    %c0_i32_0 = arith.constant 0 : i32
    %c0_i32_1 = arith.constant 0 : i32
    return %c0_i32, %c0_i32_0 : i32, i32
  }
}

module attributes {stable_mosaic.version = 14 : i64} {
  func.func @_ffn_body(%arg0: i32, %arg1: memref<128xi32, #tpu.memory_space<smem>>, %arg2: memref<128xi32, #tpu.memory_space<smem>>, %arg3: memref<1xi32, #tpu.memory_space<smem>>, %arg4: memref<128x768xf32, #tpu.memory_space<vmem>>, %arg5: memref<1x768x1536xf32, #tpu.memory_space<vmem>>, %arg6: memref<1x1536x768xf32, #tpu.memory_space<vmem>>, %arg7: memref<128x768xf32, #tpu.memory_space<vmem>>) attributes {dimension_semantics = [#tpu.dimension_semantics<arbitrary>], iteration_bounds = array<i64: 128>, scalar_prefetch = 3 : i64, scratch_operands = 0 : i64, tpu.core_type = #tpu.core_type<tc>, window_params = [{transform_indices = @transform_0, window_bounds = array<i64: 128, 768>}, {transform_indices = @transform_1, window_bounds = array<i64: 1, 768, 1536>}, {transform_indices = @transform_2, window_bounds = array<i64: 1, 1536, 768>}, {transform_indices = @transform_3, window_bounds = array<i64: 128, 768>}]} {
    %get3A = arith.constant 0 : index
    %get3A_0 = memref.load %arg3[%get3A] : memref<1xi32, #tpu.memory_space<smem>>
    %lt3A = arith.cmpi slt, %arg0, %get3A_0 : i32
    %convert_element_type3A = arith.extui %lt3A : i1 to i32
    %cond3A = arith.constant 0 : i32
    %cond3A_1 = arith.cmpi ne, %convert_element_type3A, %cond3A : i32
    scf.if %cond3A_1 {
      %get3A_2 = arith.constant 0 : index
      %get3A_3 = arith.constant 0 : index
      %get3A_4 = vector.load %arg4[%get3A_2, %get3A_3] : memref<128x768xf32, #tpu.memory_space<vmem>>, vector<128x768xf32>
      %get3A_5 = arith.constant 0 : index
      %get3A_6 = arith.constant 0 : index
      %get3A_7 = arith.constant 0 : index
      %get3A_8 = vector.load %arg5[%get3A_5, %get3A_6, %get3A_7] : memref<1x768x1536xf32, #tpu.memory_space<vmem>>, vector<1x768x1536xf32>
      %get3A_9 = vector.shape_cast %get3A_8 : vector<1x768x1536xf32> to vector<768x1536xf32>
      %dot_general3A = arith.constant dense<0.000000e+00> : vector<128x1536xf32>
      %dot_general3A_10 = tpu.matmul %get3A_4, %get3A_9, %dot_general3A {dimension_numbers = #tpu.dot_dimension_numbers<[1], [0], [0], [1], [0, 0, 1, 1], [], []>, transpose_lhs_hint = false} : vector<128x768xf32>, vector<768x1536xf32>, vector<128x1536xf32> -> vector<128x1536xf32>
      %max3A = arith.constant 0.000000e+00 : f32
      %max3A_11 = vector.broadcast %max3A : f32 to vector<128x1536xf32>
      %max3A_12 = arith.maximumf %dot_general3A_10, %max3A_11 : vector<128x1536xf32>
      %get3A_13 = arith.constant 0 : index
      %get3A_14 = arith.constant 0 : index
      %get3A_15 = arith.constant 0 : index
      %get3A_16 = vector.load %arg6[%get3A_13, %get3A_14, %get3A_15] : memref<1x1536x768xf32, #tpu.memory_space<vmem>>, vector<1x1536x768xf32>
      %get3A_17 = vector.shape_cast %get3A_16 : vector<1x1536x768xf32> to vector<1536x768xf32>
      %dot_general3A_18 = arith.constant dense<0.000000e+00> : vector<128x768xf32>
      %dot_general3A_19 = tpu.matmul %max3A_12, %get3A_17, %dot_general3A_18 {dimension_numbers = #tpu.dot_dimension_numbers<[1], [0], [0], [1], [0, 0, 1, 1], [], []>, transpose_lhs_hint = false} : vector<128x1536xf32>, vector<1536x768xf32>, vector<128x768xf32> -> vector<128x768xf32>
      %swap3A = arith.constant 0 : index
      %swap3A_20 = arith.constant 0 : index
      %swap3A_21 = vector.load %arg7[%swap3A, %swap3A_20] : memref<128x768xf32, #tpu.memory_space<vmem>>, vector<128x768xf32>
      tpu.vector_store %arg7[%swap3A, %swap3A_20], %dot_general3A_19 {strides = array<i32>} : memref<128x768xf32, #tpu.memory_space<vmem>>, vector<128x768xf32>,
    } else {
    }
    return
  }
  func.func @transform_0(%arg0: i32, %arg1: memref<128xi32, #tpu.memory_space<smem>>, %arg2: memref<128xi32, #tpu.memory_space<smem>>, %arg3: memref<1xi32, #tpu.memory_space<smem>>) -> (i32, i32) {
    %get3A = arith.index_cast %arg0 : i32 to index
    %get3A_0 = memref.load %arg1[%get3A] : memref<128xi32, #tpu.memory_space<smem>>
    %c0_i32 = arith.constant 0 : i32
    %c0_i32_1 = arith.constant 0 : i32
    return %get3A_0, %c0_i32 : i32, i32
  }
  func.func @transform_1(%arg0: i32, %arg1: memref<128xi32, #tpu.memory_space<smem>>, %arg2: memref<128xi32, #tpu.memory_space<smem>>, %arg3: memref<1xi32, #tpu.memory_space<smem>>) -> (i32, i32, i32) {
    %get3A = arith.index_cast %arg0 : i32 to index
    %get3A_0 = memref.load %arg2[%get3A] : memref<128xi32, #tpu.memory_space<smem>>
    %c0_i32 = arith.constant 0 : i32
    %c0_i32_1 = arith.constant 0 : i32
    %c0_i32_2 = arith.constant 0 : i32
    return %get3A_0, %c0_i32, %c0_i32_1 : i32, i32, i32
  }
  func.func @transform_2(%arg0: i32, %arg1: memref<128xi32, #tpu.memory_space<smem>>, %arg2: memref<128xi32, #tpu.memory_space<smem>>, %arg3: memref<1xi32, #tpu.memory_space<smem>>) -> (i32, i32, i32) {
    %get3A = arith.index_cast %arg0 : i32 to index
    %get3A_0 = memref.load %arg2[%get3A] : memref<128xi32, #tpu.memory_space<smem>>
    %c0_i32 = arith.constant 0 : i32
    %c0_i32_1 = arith.constant 0 : i32
    %c0_i32_2 = arith.constant 0 : i32
    return %get3A_0, %c0_i32, %c0_i32_1 : i32, i32, i32
  }
  func.func @transform_3(%arg0: i32, %arg1: memref<128xi32, #tpu.memory_space<smem>>, %arg2: memref<128xi32, #tpu.memory_space<smem>>, %arg3: memref<1xi32, #tpu.memory_space<smem>>) -> (i32, i32) {
    %get3A = arith.index_cast %arg0 : i32 to index
    %get3A_0 = memref.load %arg1[%get3A] : memref<128xi32, #tpu.memory_space<smem>>
    %c0_i32 = arith.constant 0 : i32
    %c0_i32_1 = arith.constant 0 : i32
    return %get3A_0, %c0_i32 : i32, i32
  }
}

</mosaic_0001>

<sc_bundles>
// kernel: kernel.10.cloned.1.call-start
scs
__scs_entry_jumppad:
0x0: {  	(pc) =	sbr.rel $0x88, $3  }
0x1: {  	(tag) =	ssettag $0x0;
	lr =	simm.s32 $0x1  }
0x2: {  	[smem:$0x3F9D] =	sst lr;
	_ =	strace $0xD0000000  }
0x3: {  	_ = 	snop  }
0x4: {  	_ = 	snop  }
0x5: {  	_ = 	snop  }
0x6: {  	_ = 	snop  }
0x7: {  	_ = 	snop  }
__scs_overlays_trampoline_lowered:
0x8: {  	[smem:$0x3FAC] =	sst s0  }
0x9: {  	[smem:$0x3FAD] =	sst s1  }
0xa: {  	[smem:$0x3FAE] =	sst s2  }
0xb: {  	[smem:$0x3FAF] =	sst s3  }
0xc: {  	[smem:$0x3FB0] =	sst s4  }
0xd: {  	[smem:$0x3FB1] =	sst s5  }
0xe: {  	[smem:$0x3FB2] =	sst s6  }
0xf: {  	[smem:$0x3FB3] =	sst s7  }
0x10: {  	[smem:$0x3FB4] =	sst s8  }
0x11: {  	[smem:$0x3FB5] =	sst s9;
	s0 =	simm.s32 @!p0 $0x0  }
0x12: {  	s1 =	sld [smem:$0x3F9B];
	s0 =	simm.s32 @p0 $0x1  }
0x13: {  	[smem:$0x3FB6] =	sst s0;
	s0 =	simm.s32 @!p1 $0x0  }
0x14: {  	s2 =	sld [smem:$0x3F9A];
	s0 =	simm.s32 @p1 $0x1  }
0x15: {  	[smem:$0x3FB7] =	sst s0;
	s0 =	simm.s32 @!p2 $0x0  }
0x16: {  	s3 =	sld [smem:$0x3FDB];
	s0 =	simm.s32 @p2 $0x1  }
0x17: {  	s4 =	simm.s32 $0x1BF5;
	[smem:$0x3FB9] =	sst s0  }
0x18: {  	s0 =	sld [smem:$0x3F9C];
	_ =	swait.ge [sflag:s4], $0x0  }
0x19: {  	s7 =	sld [smem:$0x3F9D]  }
0x1a: {  	s8 =	sadd.s32 $0xFFFFE003, lr  }
0x1b: {  	s9 =	sadd.s32 $0xFFFFFEF7, lr;
	s5 =	simm.s32 $0xFFFFFFFF;
	p2 =	slt.u32 s8, $0xFFFFF086  }
0x1c: {  	p1 =	slt.u32 s9, $0xF7A;
	s5 =	simm.s32 @!p2 $0x0  }
0x1d: {  	s5 =	simm.s32 @p1 $0x1;
	p0 =	seq.s32 s7, s2  }
0x1e: {  	s7 =	smul.u32 @!p0 $0xF7A, s2;
	p2 =	seq.s32 @!p0 s5, $0x0  }
0x1f: {  	s9 =	smul.u32 $0xF7A, s1;
	s8 =	simm.s32 @!p0 $0x1BF5;
	p2 =	por !p2, p0  }
0x20: {  	[sflag:s8] =	ssyncset.s32 @!p0 $0xFFFFF086;
	s6 =	sadd.s32 @!p0 s3, s7;
	s7 =	simm.s32 @!p0 $0x108  }
0x21: {  	s3 =	sadd.s32 s3, s9;
	s6 =	sadd.s32 @!p0 $0x88, s6;
	s7 =	simm.s32 @p2 $0x1082  }
0x22: {  	[simem:s7], [sflag:s8] =	dma.local @!p0 [hbm:s6], $0xF7A  }
0x23: {  	s9 =	sor.u32 $0xD0000000, s2;
	s6 =	simm.s32 $0x108;
	_ =	swait.ge @!p0 [sflag:s8], $0x0  }
0x24: {  	s3 =	sadd.s32 $0x88, s3;
	s6 =	simm.s32 @!p1 $0x1082;
	[sflag:s4] =	ssyncset.s32 $0xFFFFF086  }
0x25: {  	[simem:s6], [sflag:s4] =	dma.local [hbm:s3], $0xF7A  }
0x26: {  	[smem:$0x3F9D] =	sst s1;
	(tag) =	ssettag s2;
	_ =	strace s9  }
0x27: {  	s1 =	sld [smem:$0x3FAD]  }
0x28: {  	s2 =	sld [smem:$0x3FAE]  }
0x29: {  	s4 =	sld [smem:$0x3FB0]  }
0x2a: {  	p0 =	seq.s32 s5, $0x0;
	s5 =	sld [smem:$0x3FB1]  }
0x2b: {  	s6 =	sld [smem:$0x3FB2]  }
0x2c: {  	s7 =	sld [smem:$0x3FB3]  }
0x2d: {  	s3 =	simm.s32 $0x108;
	s8 =	sld [smem:$0x3FB4]  }
0x2e: {  	s3 =	simm.s32 @!p0 $0x1082;
	s9 =	sld [smem:$0x3FB5]  }
0x2f: {  	lr =	sadd.s32 s0, s3;
	s0 =	sld [smem:$0x3FAC]  }
0x30: {  	s3 =	sld [smem:$0x3FAF]  }
0x31: {  	[smem:$0x3FB8] =	sst s10  }
0x32: {  	s10 =	sld [smem:$0x3FB6];
	_ =	sdelay $0x3  }
0x33: {  	p0 =	seq.s32 s10, $0x1;
	s10 =	sld [smem:$0x3FB8];
	_ =	sdelay $0x3  }
0x34: {  	[smem:$0x3FB8] =	sst s10  }
0x35: {  	s10 =	sld [smem:$0x3FB7];
	_ =	sdelay $0x3  }
0x36: {  	p1 =	seq.s32 s10, $0x1;
	s10 =	sld [smem:$0x3FB8];
	_ =	sdelay $0x3  }
0x37: {  	[smem:$0x3FB8] =	sst s10  }
0x38: {  	s10 =	sld [smem:$0x3FB9]  }
0x39: {  	_ = 	snop;
	(pc) =	sbr.ind lr, $3  }
0x3a: {  	_ = 	snop  }
0x3b: {  	_ = 	snop  }
0x3c: {  	p2 =	seq.s32 s10, $0x1;
	s10 =	sld [smem:$0x3FB8]  }
0x3d: {  	_ =	shalt  }
0x3e: {  	_ =	shalt  }
0x3f: {  	_ =	shalt  }
0x40: {  	_ =	shalt  }
0x41: {  	_ =	shalt  }
0x42: {  	_ =	shalt  }
0x43: {  	_ =	shalt  }
0x44: {  	_ =	shalt  }
0x45: {  	_ =	shalt  }
0x46: {  	_ =	shalt  }
0x47: {  	_ =	shalt  }
0x48: {  	_ =	shalt  }
0x49: {  	_ =	shalt  }
0x4a: {  	_ =	shalt  }
0x4b: {  	_ =	shalt  }
0x4c: {  	_ =	shalt  }
0x4d: {  	_ =	shalt  }
0x4e: {  	_ =	shalt  }
0x4f: {  	_ =	shalt  }
0x50: {  	_ =	shalt  }
0x51: {  	_ =	shalt  }
0x52: {  	_ =	shalt  }
0x53: {  	_ =	shalt  }
0x54: {  	_ =	shalt  }
0x55: {  	_ =	shalt  }
0x56: {  	_ =	shalt  }
0x57: {  	_ =	shalt  }
0x58: {  	_ =	shalt  }
0x59: {  	_ =	shalt  }
0x5a: {  	_ =	shalt  }
0x5b: {  	_ =	shalt  }
0x5c: {  	_ =	shalt  }
0x5d: {  	_ =	shalt  }
0x5e: {  	_ =	shalt  }
0x5f: {  	_ =	shalt  }
0x60: {  	_ =	shalt  }
0x61: {  	_ =	shalt  }
0x62: {  	_ =	shalt  }
0x63: {  	_ =	shalt  }
0x64: {  	_ =	shalt  }
0x65: {  	_ =	shalt  }
0x66: {  	_ =	shalt  }
0x67: {  	_ =	shalt  }
0x68: {  	_ =	shalt  }
0x69: {  	_ =	shalt  }
0x6a: {  	_ =	shalt  }
0x6b: {  	_ =	shalt  }
0x6c: {  	_ =	shalt  }
0x6d: {  	_ =	shalt  }
0x6e: {  	_ =	shalt  }
0x6f: {  	_ =	shalt  }
0x70: {  	_ =	shalt  }
0x71: {  	_ =	shalt  }
0x72: {  	_ =	shalt  }
0x73: {  	_ =	shalt  }
0x74: {  	_ =	shalt  }
0x75: {  	_ =	shalt  }
0x76: {  	_ =	shalt  }
0x77: {  	_ =	shalt  }
0x78: {  	_ =	shalt  }
0x79: {  	_ =	shalt  }
0x7a: {  	_ =	shalt  }
0x7b: {  	_ =	shalt  }
0x7c: {  	_ =	shalt  }
0x7d: {  	_ =	shalt  }
0x7e: {  	_ =	shalt  }
0x7f: {  	_ =	shalt  }
0x80: {  	_ =	shalt  }
0x81: {  	_ =	shalt  }
0x82: {  	_ =	shalt  }
0x83: {  	_ =	shalt  }
0x84: {  	_ =	shalt  }
0x85: {  	_ =	shalt  }
0x86: {  	_ =	shalt  }
0x87: {  	_ =	shalt  }
.Lfunc_end0:
.L_simem_size_0:
called_computation.1_lowered:
.L_overlay_start_0:
0x88: {  	s2 =	sld [smem:$0x3FD9]  }
0x89: {  	s3 =	sld [smem:$0x3FFE];
	_ =	sdelay $0x1  }
0x8a: {  	s1 =	srdreg.scid  }
0x8b: {  	s0 =	sand.u32 $0x1, s1  }
0x8c: {  	s17 =	sshll.u32 s0, $0xA;
	s2 =	sadd.s32 s3, s2  }
0x8d: {  	s2 =	sadd.s32 s2, s17  }
0x8e: {  	[smem:$0x3FC4] =	sst s2  }
0x8f: {  	_ = 	snop  }
0x90: {  	s2 =	sld [smem:$0x3FD0];
	(tm) =	ssettm $0x1  }
0x91: {  	s18 =	sld [smem:$0x3FFB];
	_ =	sdelay $0x3  }
0x92: {  	_ =	strace s18  }
0x93: {  	s3 =	sld [smem:$0x3FFC];
	_ =	sdelay $0x3  }
0x94: {  	_ =	strace s3  }
0x95: {  	s3 =	sld [smem:$0x3FFD];
	_ =	sdelay $0x3  }
0x96: {  	_ =	strace s3  }
0x97: {  	_ =	strace $0x8FFFFFFF  }
0x98: {  	s19 =	sld [smem:$0x3FDB];
	_ =	sdelay $0x1  }
0x99: {  	s4 =	simm.s32 $_scs_section_size  }
0x9a: {  	s5 =	simm.s32 $_size__tile_overlayer_lowered;
	s6 =	simm.s32 $_tile_overlayer_lowered  }
0x9b: {  	s22 =	simm.s32 $0x1BFF;
	s21 =	sshll.u32 s6, $0x1;
	s3 =	sadd.s32 s4, s19  }
0x9c: {  	s7 =	simm.s32 $0x0;
	s20 =	sshll.u32 s5, $0x1;
	s5 =	sadd.s32 s21, s3  }
0x9d: {  	[timem:s7], [sflag:s22] =	dma.local [hbm:s5], s20  }
0x9e: {  	_ =	swait.ge [sflag:s22], s20  }
0x9f: {  	s4 =	ssub.s32 $0x0, s20;
	[sflag:s22] =	ssyncset.done $0x0  }
0xa0: {  	[sflag:s22] =	ssyncadd.s32 s4;
	_ =	sdelay $0x1  }
0xa1: {  	s23 =	simm.s32 $0x1B8B  }
0xa2: {  	_ =	swait.ge [sflag:s23], $0x1  }
0xa3: {  	[sflag:s23] =	ssyncset.done $0x0  }
0xa4: {  	s25 =	simm.s32 $0x1B8E;
	s24 =	sld [smem:$0x3FFE];
	[sflag:s23] =	ssyncadd.s32 $0xFFFFFFFF  }
0xa5: {  	s26 =	simm.s32 $execute0_lowered;
	[smem:$0x3FD2] =	sst s25  }
0xa6: {  	s5 =	sshll.u32 s26, $0x1;
	_ =	strace $0x80000049;
	[dreg:$0x1] =	wrdreg $0xFFFFFFFF  }
0xa7: {  	s28 =	simm.s32 $_size_execute0_lowered;
	s3 =	sadd.s32 s3, s5;
	[dreg:$0x0] =	wrdreg $0x0  }
0xa8: {  	s5 =	sshll.u32 s28, $0x1;
	[dreg:$0x2] =	wrdreg s3  }
0xa9: {  	[dreg:$0x3] =	wrdreg s5  }
0xaa: {  	[dreg:$0x4] =	wrdreg $0xC0  }
0xab: {  	_ =	task [dreg:s7], $0x5FFFF  }
0xac: {  	[dreg:$0x1] =	wrdreg $0xFFFFFFFF  }
0xad: {  	[dreg:$0x0] =	wrdreg $0x60  }
0xae: {  	[dreg:$0x2] =	wrdreg s24  }
0xaf: {  	[dreg:$0x3] =	wrdreg s2  }
0xb0: {  	[dreg:$0x4] =	wrdreg $0x9  }
0xb1: {  	_ =	task.clear_ibuf [dreg:s7], $0x5FFFF;
	_ =	strace $0x90000049  }
0xb2: {  	s29 =	simm.s32 $0x9;
	_ =	strace $0x8000004B  }
0xb3: {  	_ =	swait.ge [sflag:s29], $0x1  }
0xb4: {  	[sflag:s29] =	ssyncadd.s32 $0xFFFFFFFF  }
0xb5: {  	_ =	strace $0x9000004B  }
0xb6: {  	_ =	sfence  }
0xb7: {  	s30 =	sld [smem:$0x0];
	_ =	sdelay $0x2  }
0xb8: {  	s31 =	sshll.u32 s1, $0xD;
	s1 =	sshrl.u32 s1, $0x2  }
0xb9: {  	s3 =	sand.u32 $0x4000, s31;
	s1 =	sadd.s32 s1, s30  }
0xba: {  	s0 =	sor.u32 s3, s0;
	s1 =	sshll.u32 s1, $0x11  }
0xbb: {  	s0 =	sor.u32 s1, s0  }
0xbc: {  	s0 =	sadd.s32 $0x8F2B, s0  }
0xbd: {  	[sflag:s0] =	ssyncadd.remote.s32 $0x1  }
0xbe: {  	_ =	sfence.sel $0xFFFF  }
0xbf: {  	[dreg:$0x0] =	wrdreg $0xFFFFFFFF;
	(pc) =	sbr.abs _section_cstart, $3  }
0xc0: {  	[dreg:$0x1] =	wrdreg $0xFFFFFFFF  }
0xc1: {  	_ =	task.clear_ibuf [dreg:s7], $0x2FFFF;
	_ =	strace $0x9FFFFFFF  }
0xc2: {  	(tm) =	ssettm $0x7FFFFFFF  }
0xc3: {  	_ =	shalt  }
tec
execute0_lowered:
.L_overlay_start_1:
0x0: {  	(tag) =	ssettag $0x1  }
0x1: {  	s0 =	rddreg [dreg:$0x0]  }
0x2: {  	s1 =	rddreg [dreg:$0x1];
	s2 =	simm.s32 $0x0  }
0x3: {  	s3 =	srdreg.scid;
	s4 =	stileid.u32;
	s14 =	simm.s32 $0x2  }
0x4: {  	s15 =	simm.s32 $0x6;
	s17 =	simm.s32 $0x900;
	s18 =	simm.s32 $0x1100  }
0x5: {  	s19 =	simm.s32 $0x1900;
	s28 =	simm.s32 $0x5900;
	s29 =	simm.s32 $0x6100  }
0x6: {  	s30 =	simm.s32 $0x6900;
	s31 =	simm.s32 $0x7100;
	s11 =	simm.s32 $0x8900  }
0x7: {  	s12 =	simm.s32 $0xA900;
	s13 =	simm.s32 $0x1;
	[smem:$0x7FF] =	sst s2  }
0x8: {  	s3 =	sand.u32 $0x1, s3;
	s4 =	sshll.u32 s4, $0x6;
	s6 =	sadd.s32 $0xA00, s0  }
0x9: {  	_ =	strace $0x8000004A;
	s5 =	sshll.u32 s3, $0x5;
	s7 =	ssub.s32 $0x2, s3  }
0xa: {  	s3 =	sadd.s32 $0x180E00, s0;
	s4 =	sor.u32 s5, s4;
	s9 =	sshrl.u32 s7, $0x1  }
0xb: {  	s20 =	sadd.s32 s6, s4;
	s5 =	sor.u32 $0x8, s4;
	s8 =	smul.u32 $0x300, s4  }
0xc: {  	s23 =	sor.u32 $0x10, s4;
	s7 =	ssub.s32 s7, s9;
	s4 =	sor.u32 $0x18, s4  }
0xd: {  	[dreg:$0x3] =	wrdreg s20;
	s21 =	sadd.s32 s6, s5;
	s5 =	smul.u32 $0x300, s5  }
0xe: {  	s10 =	sadd.s32 s6, s23;
	s24 =	sadd.s32 s6, s4;
	s25 =	smul.u32 $0x300, s4  }
0xf: {  	s4 =	sadd.s32 $0x180F00, s0;
	s6 =	smax.u32 s7, $0x1;
	[dreg:$0x4] =	wrdreg s21  }
0x10: {  	s20 =	simm.s32 $0x2100;
	s22 =	sadd.s32 s1, s8;
	[dreg:$0x6] =	wrdreg s10  }
0x11: {  	s8 =	smul.u32 $0x300, s23;
	[dreg:$0x8] =	wrdreg s24;
	s10 =	simm.s32 $0x5  }
0x12: {  	s21 =	simm.s32 $0x2900;
	s23 =	simm.s32 $0x3900;
	s24 =	simm.s32 $0x4100  }
0x13: {  	[dreg:$0x5] =	wrdreg s22;
	s5 =	sadd.s32 s1, s5;
	s26 =	sadd.s32 s1, s25  }
0x14: {  	v2 =	vlaneseq.u32;
	s22 =	simm.s32 $0x3100;
	s25 =	simm.s32 $0x4900;
	[dreg:$0x7] =	wrdreg s5  }
0x15: {  	vm0 =	vmmov $0xffff;
	v1 =	vshrl.u32 v2, $0x3;
	s8 =	sadd.s32 s1, s8;
	s5 =	sadd.s32 $0x181000, s0;
	[dreg:$0xa] =	wrdreg s26  }
0x16: {  	v0 =	vand.u32 $0x7, v2;
	v2 =	vor.u32 $0x8, v2;
	v1 =	vmul.u32 $0x8, v1;
	s26 =	simm.s32 $0x5100;
	s1 =	simm.s32 $0xC100;
	[dreg:$0x9] =	wrdreg s8  }
.LBB2_1:
0x17: {  	s16 =	rddreg [dreg:$0x3];
	s9 =	simm.s32 $0x3  }
0x18: {  	[tilespmem:s2], [sflag:$0x3] =	stream.linear.gather [hbm4b:s16+s2], $0x40, $0x38;
	[tilespmem:$0x18100] =	vst v63  }
0x19: {  	_ =	swait.ge [sflag:s9], $0x40  }
0x1a: {  	[sflag:s9] =	ssyncset.done $0x0  }
0x1b: {  	[sflag:s9] =	ssyncadd.s32 $0xFFFFFFC0  }
0x1c: {  	v3 =	vld [tilespmem:$0x0];
	_ =	sdelay $0x4  }
0x1d: {  	v4 =	vshrl.u32 v3, $0x3  }
0x1e: {  	v4 =	vmul.u32 $0x30, v4  }
0x1f: {  	v3 =	vand.u32 $0x7, v3  }
0x20: {  	v3 =	vor.u32 v3, v4  }
0x21: {  	v4 =	vperm.xlane v3, v0;
	_ =	sdelay $0x1  }
0x22: {  	v4 =	vadd.s32 v1, v4;
	_ =	sdelay $0x3  }
0x23: {  	s0 =	simm.s32 $0x100;
	v3 =	vperm.xlane v3, v2  }
0x24: {  	[tilespmem:s0], [sflag:$0x1] =	stream.indirect_vreg.gather [hbm4b:s3+s2], $0x80, v4, vm0, $0xb8;
	[tilespmem:$0x18100] =	vst v63  }
0x25: {  	v3 =	vadd.s32 v1, v3  }
0x26: {  	[tilespmem:s17], [sflag:$0x1] =	stream.indirect_vreg.gather [hbm4b:s4+s2], $0x80, v4, vm0, $0xb8;
	[tilespmem:$0x18100] =	vst v63  }
0x27: {  	_ = 	snop  }
0x28: {  	[tilespmem:s18], [sflag:$0x1] =	stream.indirect_vreg.gather [hbm4b:s5+s2], $0x80, v4, vm0, $0xb8;
	[tilespmem:$0x18100] =	vst v63  }
0x29: {  	_ = 	snop  }
0x2a: {  	[tilespmem:s19], [sflag:$0x1] =	stream.indirect_vreg.gather [hbm4b:s3+s2], $0x80, v3, vm0, $0xb8;
	[tilespmem:$0x18100] =	vst v63  }
0x2b: {  	_ = 	snop  }
0x2c: {  	[tilespmem:s20], [sflag:$0x1] =	stream.indirect_vreg.gather [hbm4b:s4+s2], $0x80, v3, vm0, $0xb8;
	[tilespmem:$0x18100] =	vst v63  }
0x2d: {  	_ = 	snop  }
0x2e: {  	[tilespmem:s21], [sflag:$0x1] =	stream.indirect_vreg.gather [hbm4b:s5+s2], $0x80, v3, vm0, $0xb8;
	[tilespmem:$0x18100] =	vst v63  }
0x2f: {  	v3 =	vld [tilespmem:$0x10];
	_ =	sdelay $0x4  }
0x30: {  	v49 =	vshrl.u32 v3, $0x3  }
0x31: {  	v4 =	vmul.u32 $0x30, v49  }
0x32: {  	v3 =	vand.u32 $0x7, v3  }
0x33: {  	v3 =	vor.u32 v3, v4  }
0x34: {  	v4 =	vperm.xlane v3, v0;
	_ =	sdelay $0x1  }
0x35: {  	v4 =	vadd.s32 v1, v4;
	_ =	sdelay $0x3  }
0x36: {  	v3 =	vperm.xlane v3, v2  }
0x37: {  	[tilespmem:s22], [sflag:$0x1] =	stream.indirect_vreg.gather [hbm4b:s3+s2], $0x80, v4, vm0, $0xb8;
	[tilespmem:$0x18100] =	vst v63  }
0x38: {  	v3 =	vadd.s32 v1, v3  }
0x39: {  	[tilespmem:s23], [sflag:$0x1] =	stream.indirect_vreg.gather [hbm4b:s4+s2], $0x80, v4, vm0, $0xb8;
	[tilespmem:$0x18100] =	vst v63  }
0x3a: {  	_ = 	snop  }
0x3b: {  	[tilespmem:s24], [sflag:$0x1] =	stream.indirect_vreg.gather [hbm4b:s5+s2], $0x80, v4, vm0, $0xb8;
	[tilespmem:$0x18100] =	vst v63  }
0x3c: {  	_ = 	snop  }
0x3d: {  	[tilespmem:s25], [sflag:$0x1] =	stream.indirect_vreg.gather [hbm4b:s3+s2], $0x80, v3, vm0, $0xb8;
	[tilespmem:$0x18100] =	vst v63  }
0x3e: {  	_ = 	snop  }
0x3f: {  	[tilespmem:s26], [sflag:$0x1] =	stream.indirect_vreg.gather [hbm4b:s4+s2], $0x80, v3, vm0, $0xb8;
	[tilespmem:$0x18100] =	vst v63  }
0x40: {  	_ = 	snop  }
0x41: {  	[tilespmem:s28], [sflag:$0x1] =	stream.indirect_vreg.gather [hbm4b:s5+s2], $0x80, v3, vm0, $0xb8;
	[tilespmem:$0x18100] =	vst v63  }
0x42: {  	v3 =	vld [tilespmem:$0x20];
	_ =	sdelay $0x4  }
0x43: {  	v50 =	vshrl.u32 v3, $0x3  }
0x44: {  	v4 =	vmul.u32 $0x30, v50  }
0x45: {  	v3 =	vand.u32 $0x7, v3  }
0x46: {  	v3 =	vor.u32 v3, v4  }
0x47: {  	v4 =	vperm.xlane v3, v0;
	_ =	sdelay $0x1  }
0x48: {  	v4 =	vadd.s32 v1, v4;
	_ =	sdelay $0x3  }
0x49: {  	v3 =	vperm.xlane v3, v2  }
0x4a: {  	[tilespmem:s29], [sflag:$0x1] =	stream.indirect_vreg.gather [hbm4b:s3+s2], $0x80, v4, vm0, $0xb8;
	[tilespmem:$0x18100] =	vst v63  }
0x4b: {  	v3 =	vadd.s32 v1, v3  }
0x4c: {  	[tilespmem:s30], [sflag:$0x1] =	stream.indirect_vreg.gather [hbm4b:s4+s2], $0x80, v4, vm0, $0xb8;
	[tilespmem:$0x18100] =	vst v63  }
0x4d: {  	_ = 	snop  }
0x4e: {  	[tilespmem:s31], [sflag:$0x1] =	stream.indirect_vreg.gather [hbm4b:s5+s2], $0x80, v4, vm0, $0xb8;
	[tilespmem:$0x18100] =	vst v63  }
0x4f: {  	s7 =	simm.s32 $0x7900  }
0x50: {  	[tilespmem:s7], [sflag:$0x1] =	stream.indirect_vreg.gather [hbm4b:s3+s2], $0x80, v3, vm0, $0xb8;
	[tilespmem:$0x18100] =	vst v63  }
0x51: {  	s8 =	simm.s32 $0x8100  }
0x52: {  	[tilespmem:s8], [sflag:$0x1] =	stream.indirect_vreg.gather [hbm4b:s4+s2], $0x80, v3, vm0, $0xb8;
	[tilespmem:$0x18100] =	vst v63  }
0x53: {  	_ = 	snop  }
0x54: {  	[tilespmem:s11], [sflag:$0x1] =	stream.indirect_vreg.gather [hbm4b:s5+s2], $0x80, v3, vm0, $0xb8;
	[tilespmem:$0x18100] =	vst v63  }
0x55: {  	v3 =	vld [tilespmem:$0x30];
	_ =	sdelay $0x4  }
0x56: {  	v51 =	vshrl.u32 v3, $0x3  }
0x57: {  	v4 =	vmul.u32 $0x30, v51  }
0x58: {  	v3 =	vand.u32 $0x7, v3  }
0x59: {  	v3 =	vor.u32 v3, v4  }
0x5a: {  	v4 =	vperm.xlane v3, v0;
	_ =	sdelay $0x1  }
0x5b: {  	v4 =	vadd.s32 v1, v4;
	_ =	sdelay $0x3  }
0x5c: {  	s16 =	simm.s32 $0x9100;
	v3 =	vperm.xlane v3, v2  }
0x5d: {  	[tilespmem:s16], [sflag:$0x1] =	stream.indirect_vreg.gather [hbm4b:s3+s2], $0x80, v4, vm0, $0xb8;
	[tilespmem:$0x18100] =	vst v63  }
0x5e: {  	s7 =	simm.s32 $0x9900;
	v3 =	vadd.s32 v1, v3  }
0x5f: {  	[tilespmem:s7], [sflag:$0x1] =	stream.indirect_vreg.gather [hbm4b:s4+s2], $0x80, v4, vm0, $0xb8;
	[tilespmem:$0x18100] =	vst v63  }
0x60: {  	s8 =	simm.s32 $0xA100  }
0x61: {  	[tilespmem:s8], [sflag:$0x1] =	stream.indirect_vreg.gather [hbm4b:s5+s2], $0x80, v4, vm0, $0xb8;
	[tilespmem:$0x18100] =	vst v63  }
0x62: {  	_ = 	snop  }
0x63: {  	[tilespmem:s12], [sflag:$0x1] =	stream.indirect_vreg.gather [hbm4b:s3+s2], $0x80, v3, vm0, $0xb8;
	[tilespmem:$0x18100] =	vst v63  }
0x64: {  	s16 =	simm.s32 $0xB100  }
0x65: {  	[tilespmem:s16], [sflag:$0x1] =	stream.indirect_vreg.gather [hbm4b:s4+s2], $0x80, v3, vm0, $0xb8;
	[tilespmem:$0x18100] =	vst v63  }
0x66: {  	s7 =	simm.s32 $0xB900  }
0x67: {  	[tilespmem:s7], [sflag:$0x1] =	stream.indirect_vreg.gather [hbm4b:s5+s2], $0x80, v3, vm0, $0xb8;
	[tilespmem:$0x18100] =	vst v63  }
0x68: {  	s0 =	rddreg [dreg:$0x4];
	s8 =	simm.s32 $0x80  }
0x69: {  	[tilespmem:s8], [sflag:$0x4] =	stream.linear.gather [hbm4b:s0+s2], $0x40, $0x38;
	[tilespmem:$0x18100] =	vst v63  }
0x6a: {  	s0 =	simm.s32 $0x4  }
0x6b: {  	_ =	swait.ge [sflag:s0], $0x40  }
0x6c: {  	[sflag:s0] =	ssyncset.done $0x0  }
0x6d: {  	[sflag:s0] =	ssyncadd.s32 $0xFFFFFFC0  }
0x6e: {  	v3 =	vld [tilespmem:$0x80];
	_ =	sdelay $0x4  }
0x6f: {  	v52 =	vshrl.u32 v3, $0x3  }
0x70: {  	v4 =	vmul.u32 $0x30, v52  }
0x71: {  	v3 =	vand.u32 $0x7, v3  }
0x72: {  	v3 =	vor.u32 v3, v4  }
0x73: {  	v4 =	vperm.xlane v3, v0;
	_ =	sdelay $0x1  }
0x74: {  	v4 =	vadd.s32 v1, v4;
	_ =	sdelay $0x3  }
0x75: {  	v3 =	vperm.xlane v3, v2  }
0x76: {  	[tilespmem:s1], [sflag:$0x2] =	stream.indirect_vreg.gather [hbm4b:s3+s2], $0x80, v4, vm0, $0xb8;
	[tilespmem:$0x18100] =	vst v63  }
0x77: {  	s8 =	simm.s32 $0xC900;
	v3 =	vadd.s32 v1, v3  }
0x78: {  	[tilespmem:s8], [sflag:$0x2] =	stream.indirect_vreg.gather [hbm4b:s4+s2], $0x80, v4, vm0, $0xb8;
	[tilespmem:$0x18100] =	vst v63  }
0x79: {  	s16 =	simm.s32 $0xD100  }
0x7a: {  	[tilespmem:s16], [sflag:$0x2] =	stream.indirect_vreg.gather [hbm4b:s5+s2], $0x80, v4, vm0, $0xb8;
	[tilespmem:$0x18100] =	vst v63  }
0x7b: {  	s16 =	simm.s32 $0xD900  }
0x7c: {  	[tilespmem:s16], [sflag:$0x2] =	stream.indirect_vreg.gather [hbm4b:s3+s2], $0x80, v3, vm0, $0xb8;
	[tilespmem:$0x18100] =	vst v63  }
0x7d: {  	s16 =	simm.s32 $0xE100  }
0x7e: {  	[tilespmem:s16], [sflag:$0x2] =	stream.indirect_vreg.gather [hbm4b:s4+s2], $0x80, v3, vm0, $0xb8;
	[tilespmem:$0x18100] =	vst v63  }
0x7f: {  	s16 =	simm.s32 $0xE900  }
0x80: {  	[tilespmem:s16], [sflag:$0x2] =	stream.indirect_vreg.gather [hbm4b:s5+s2], $0x80, v3, vm0, $0xb8;
	[tilespmem:$0x18100] =	vst v63  }
0x81: {  	v3 =	vld [tilespmem:$0x90];
	_ =	sdelay $0x4  }
0x82: {  	v53 =	vshrl.u32 v3, $0x3  }
0x83: {  	v4 =	vmul.u32 $0x30, v53  }
0x84: {  	v3 =	vand.u32 $0x7, v3  }
0x85: {  	v3 =	vor.u32 v3, v4  }
0x86: {  	v4 =	vperm.xlane v3, v0;
	_ =	sdelay $0x1  }
0x87: {  	v4 =	vadd.s32 v1, v4;
	_ =	sdelay $0x3  }
0x88: {  	s16 =	simm.s32 $0xF100;
	v3 =	vperm.xlane v3, v2  }
0x89: {  	[tilespmem:s16], [sflag:$0x2] =	stream.indirect_vreg.gather [hbm4b:s3+s2], $0x80, v4, vm0, $0xb8;
	[tilespmem:$0x18100] =	vst v63  }
0x8a: {  	v3 =	vadd.s32 v1, v3;
	s16 =	simm.s32 $0xF900  }
0x8b: {  	[tilespmem:s16], [sflag:$0x2] =	stream.indirect_vreg.gather [hbm4b:s4+s2], $0x80, v4, vm0, $0xb8;
	[tilespmem:$0x18100] =	vst v63  }
0x8c: {  	s16 =	simm.s32 $0x10100  }
0x8d: {  	[tilespmem:s16], [sflag:$0x2] =	stream.indirect_vreg.gather [hbm4b:s5+s2], $0x80, v4, vm0, $0xb8;
	[tilespmem:$0x18100] =	vst v63  }
0x8e: {  	s16 =	simm.s32 $0x10900  }
0x8f: {  	[tilespmem:s16], [sflag:$0x2] =	stream.indirect_vreg.gather [hbm4b:s3+s2], $0x80, v3, vm0, $0xb8;
	[tilespmem:$0x18100] =	vst v63  }
0x90: {  	s16 =	simm.s32 $0x11100  }
0x91: {  	[tilespmem:s16], [sflag:$0x2] =	stream.indirect_vreg.gather [hbm4b:s4+s2], $0x80, v3, vm0, $0xb8;
	[tilespmem:$0x18100] =	vst v63  }
0x92: {  	s16 =	simm.s32 $0x11900  }
0x93: {  	[tilespmem:s16], [sflag:$0x2] =	stream.indirect_vreg.gather [hbm4b:s5+s2], $0x80, v3, vm0, $0xb8;
	[tilespmem:$0x18100] =	vst v63  }
0x94: {  	v3 =	vld [tilespmem:$0xA0];
	_ =	sdelay $0x4  }
0x95: {  	v54 =	vshrl.u32 v3, $0x3  }
0x96: {  	v4 =	vmul.u32 $0x30, v54  }
0x97: {  	v3 =	vand.u32 $0x7, v3  }
0x98: {  	v3 =	vor.u32 v3, v4  }
0x99: {  	v4 =	vperm.xlane v3, v0;
	_ =	sdelay $0x1  }
0x9a: {  	v4 =	vadd.s32 v1, v4;
	_ =	sdelay $0x3  }
0x9b: {  	s16 =	simm.s32 $0x12100;
	v3 =	vperm.xlane v3, v2  }
0x9c: {  	[tilespmem:s16], [sflag:$0x2] =	stream.indirect_vreg.gather [hbm4b:s3+s2], $0x80, v4, vm0, $0xb8;
	[tilespmem:$0x18100] =	vst v63  }
0x9d: {  	v3 =	vadd.s32 v1, v3;
	s16 =	simm.s32 $0x12900  }
0x9e: {  	[tilespmem:s16], [sflag:$0x2] =	stream.indirect_vreg.gather [hbm4b:s4+s2], $0x80, v4, vm0, $0xb8;
	[tilespmem:$0x18100] =	vst v63  }
0x9f: {  	s16 =	simm.s32 $0x13100  }
0xa0: {  	[tilespmem:s16], [sflag:$0x2] =	stream.indirect_vreg.gather [hbm4b:s5+s2], $0x80, v4, vm0, $0xb8;
	[tilespmem:$0x18100] =	vst v63  }
0xa1: {  	s16 =	simm.s32 $0x13900  }
0xa2: {  	[tilespmem:s16], [sflag:$0x2] =	stream.indirect_vreg.gather [hbm4b:s3+s2], $0x80, v3, vm0, $0xb8;
	[tilespmem:$0x18100] =	vst v63  }
0xa3: {  	s16 =	simm.s32 $0x14100  }
0xa4: {  	[tilespmem:s16], [sflag:$0x2] =	stream.indirect_vreg.gather [hbm4b:s4+s2], $0x80, v3, vm0, $0xb8;
	[tilespmem:$0x18100] =	vst v63  }
0xa5: {  	s16 =	simm.s32 $0x14900  }
0xa6: {  	[tilespmem:s16], [sflag:$0x2] =	stream.indirect_vreg.gather [hbm4b:s5+s2], $0x80, v3, vm0, $0xb8;
	[tilespmem:$0x18100] =	vst v63  }
0xa7: {  	v3 =	vld [tilespmem:$0xB0];
	_ =	sdelay $0x4  }
0xa8: {  	v55 =	vshrl.u32 v3, $0x3  }
0xa9: {  	v4 =	vmul.u32 $0x30, v55  }
0xaa: {  	v3 =	vand.u32 $0x7, v3  }
0xab: {  	v3 =	vor.u32 v3, v4  }
0xac: {  	v4 =	vperm.xlane v3, v0;
	_ =	sdelay $0x1  }
0xad: {  	v4 =	vadd.s32 v1, v4;
	_ =	sdelay $0x3  }
0xae: {  	s16 =	simm.s32 $0x15100;
	v3 =	vperm.xlane v3, v2  }
0xaf: {  	[tilespmem:s16], [sflag:$0x2] =	stream.indirect_vreg.gather [hbm4b:s3+s2], $0x80, v4, vm0, $0xb8;
	[tilespmem:$0x18100] =	vst v63  }
0xb0: {  	v3 =	vadd.s32 v1, v3;
	s16 =	simm.s32 $0x15900  }
0xb1: {  	[tilespmem:s16], [sflag:$0x2] =	stream.indirect_vreg.gather [hbm4b:s4+s2], $0x80, v4, vm0, $0xb8;
	[tilespmem:$0x18100] =	vst v63  }
0xb2: {  	s16 =	simm.s32 $0x16100  }
0xb3: {  	[tilespmem:s16], [sflag:$0x2] =	stream.indirect_vreg.gather [hbm4b:s5+s2], $0x80, v4, vm0, $0xb8;
	[tilespmem:$0x18100] =	vst v63  }
0xb4: {  	s16 =	simm.s32 $0x16900  }
0xb5: {  	[tilespmem:s16], [sflag:$0x2] =	stream.indirect_vreg.gather [hbm4b:s3+s2], $0x80, v3, vm0, $0xb8;
	[tilespmem:$0x18100] =	vst v63  }
0xb6: {  	s16 =	simm.s32 $0x17100  }
0xb7: {  	[tilespmem:s16], [sflag:$0x2] =	stream.indirect_vreg.gather [hbm4b:s4+s2], $0x80, v3, vm0, $0xb8;
	[tilespmem:$0x18100] =	vst v63  }
0xb8: {  	s16 =	simm.s32 $0x17900  }
0xb9: {  	[tilespmem:s16], [sflag:$0x2] =	stream.indirect_vreg.gather [hbm4b:s5+s2], $0x80, v3, vm0, $0xb8;
	[tilespmem:$0x18100] =	vst v63  }
0xba: {  	_ =	swait.ge [sflag:s13], $0xC000  }
0xbb: {  	[sflag:s13] =	ssyncset.done $0x0  }
0xbc: {  	s8 =	simm.s32 $0x100;
	s16 =	rddreg [dreg:$0x5];
	[sflag:s13] =	ssyncadd.s32 $0xFFFF4000  }
0xbd: {  	[hbm4b:s16+s2] =	stream.linear.scatter [tilespmem:s8], [sflag:$0x5], $0xC000, $0x38;
	[tilespmem:$0x18100] =	vst v63  }
0xbe: {  	_ =	swait.ge [sflag:s10], $0xC000  }
0xbf: {  	[sflag:s10] =	ssyncset.done $0x0  }
0xc0: {  	s16 =	rddreg [dreg:$0x6];
	[sflag:s10] =	ssyncadd.s32 $0xFFFF4000  }
0xc1: {  	[tilespmem:s2], [sflag:$0x3] =	stream.linear.gather [hbm4b:s16+s2], $0x40, $0x38;
	[tilespmem:$0x18100] =	vst v63  }
0xc2: {  	_ =	swait.ge [sflag:s9], $0x40  }
0xc3: {  	[sflag:s9] =	ssyncset.done $0x0  }
0xc4: {  	[sflag:s9] =	ssyncadd.s32 $0xFFFFFFC0  }
0xc5: {  	v3 =	vld [tilespmem:$0x0];
	_ =	sdelay $0x4  }
0xc6: {  	v56 =	vshrl.u32 v3, $0x3  }
0xc7: {  	v4 =	vmul.u32 $0x30, v56  }
0xc8: {  	v3 =	vand.u32 $0x7, v3  }
0xc9: {  	v3 =	vor.u32 v3, v4  }
0xca: {  	v4 =	vperm.xlane v3, v0;
	_ =	sdelay $0x1  }
0xcb: {  	v4 =	vadd.s32 v1, v4;
	_ =	sdelay $0x3  }
0xcc: {  	v3 =	vperm.xlane v3, v2  }
0xcd: {  	[tilespmem:s8], [sflag:$0x1] =	stream.indirect_vreg.gather [hbm4b:s3+s2], $0x80, v4, vm0, $0xb8;
	[tilespmem:$0x18100] =	vst v63  }
0xce: {  	v3 =	vadd.s32 v1, v3  }
0xcf: {  	[tilespmem:s17], [sflag:$0x1] =	stream.indirect_vreg.gather [hbm4b:s4+s2], $0x80, v4, vm0, $0xb8;
	[tilespmem:$0x18100] =	vst v63  }
0xd0: {  	_ = 	snop  }
0xd1: {  	[tilespmem:s18], [sflag:$0x1] =	stream.indirect_vreg.gather [hbm4b:s5+s2], $0x80, v4, vm0, $0xb8;
	[tilespmem:$0x18100] =	vst v63  }
0xd2: {  	_ = 	snop  }
0xd3: {  	[tilespmem:s19], [sflag:$0x1] =	stream.indirect_vreg.gather [hbm4b:s3+s2], $0x80, v3, vm0, $0xb8;
	[tilespmem:$0x18100] =	vst v63  }
0xd4: {  	_ = 	snop  }
0xd5: {  	[tilespmem:s20], [sflag:$0x1] =	stream.indirect_vreg.gather [hbm4b:s4+s2], $0x80, v3, vm0, $0xb8;
	[tilespmem:$0x18100] =	vst v63  }
0xd6: {  	_ = 	snop  }
0xd7: {  	[tilespmem:s21], [sflag:$0x1] =	stream.indirect_vreg.gather [hbm4b:s5+s2], $0x80, v3, vm0, $0xb8;
	[tilespmem:$0x18100] =	vst v63  }
0xd8: {  	v3 =	vld [tilespmem:$0x10];
	_ =	sdelay $0x4  }
0xd9: {  	v57 =	vshrl.u32 v3, $0x3  }
0xda: {  	v4 =	vmul.u32 $0x30, v57  }
0xdb: {  	v3 =	vand.u32 $0x7, v3  }
0xdc: {  	v3 =	vor.u32 v3, v4  }
0xdd: {  	v4 =	vperm.xlane v3, v0;
	_ =	sdelay $0x1  }
0xde: {  	v4 =	vadd.s32 v1, v4;
	_ =	sdelay $0x3  }
0xdf: {  	v3 =	vperm.xlane v3, v2  }
0xe0: {  	[tilespmem:s22], [sflag:$0x1] =	stream.indirect_vreg.gather [hbm4b:s3+s2], $0x80, v4, vm0, $0xb8;
	[tilespmem:$0x18100] =	vst v63  }
0xe1: {  	v3 =	vadd.s32 v1, v3  }
0xe2: {  	[tilespmem:s23], [sflag:$0x1] =	stream.indirect_vreg.gather [hbm4b:s4+s2], $0x80, v4, vm0, $0xb8;
	[tilespmem:$0x18100] =	vst v63  }
0xe3: {  	_ = 	snop  }
0xe4: {  	[tilespmem:s24], [sflag:$0x1] =	stream.indirect_vreg.gather [hbm4b:s5+s2], $0x80, v4, vm0, $0xb8;
	[tilespmem:$0x18100] =	vst v63  }
0xe5: {  	_ = 	snop  }
0xe6: {  	[tilespmem:s25], [sflag:$0x1] =	stream.indirect_vreg.gather [hbm4b:s3+s2], $0x80, v3, vm0, $0xb8;
	[tilespmem:$0x18100] =	vst v63  }
0xe7: {  	_ = 	snop  }
0xe8: {  	[tilespmem:s26], [sflag:$0x1] =	stream.indirect_vreg.gather [hbm4b:s4+s2], $0x80, v3, vm0, $0xb8;
	[tilespmem:$0x18100] =	vst v63  }
0xe9: {  	_ = 	snop  }
0xea: {  	[tilespmem:s28], [sflag:$0x1] =	stream.indirect_vreg.gather [hbm4b:s5+s2], $0x80, v3, vm0, $0xb8;
	[tilespmem:$0x18100] =	vst v63  }
0xeb: {  	v3 =	vld [tilespmem:$0x20];
	_ =	sdelay $0x4  }
0xec: {  	v58 =	vshrl.u32 v3, $0x3  }
0xed: {  	v4 =	vmul.u32 $0x30, v58  }
0xee: {  	v3 =	vand.u32 $0x7, v3  }
0xef: {  	v3 =	vor.u32 v3, v4  }
0xf0: {  	v4 =	vperm.xlane v3, v0;
	_ =	sdelay $0x1  }
0xf1: {  	v4 =	vadd.s32 v1, v4;
	_ =	sdelay $0x3  }
0xf2: {  	v3 =	vperm.xlane v3, v2  }
0xf3: {  	[tilespmem:s29], [sflag:$0x1] =	stream.indirect_vreg.gather [hbm4b:s3+s2], $0x80, v4, vm0, $0xb8;
	[tilespmem:$0x18100] =	vst v63  }
0xf4: {  	v3 =	vadd.s32 v1, v3  }
0xf5: {  	[tilespmem:s30], [sflag:$0x1] =	stream.indirect_vreg.gather [hbm4b:s4+s2], $0x80, v4, vm0, $0xb8;
	[tilespmem:$0x18100] =	vst v63  }
0xf6: {  	_ = 	snop  }
0xf7: {  	[tilespmem:s31], [sflag:$0x1] =	stream.indirect_vreg.gather [hbm4b:s5+s2], $0x80, v4, vm0, $0xb8;
	[tilespmem:$0x18100] =	vst v63  }
0xf8: {  	s16 =	simm.s32 $0x7900  }
0xf9: {  	[tilespmem:s16], [sflag:$0x1] =	stream.indirect_vreg.gather [hbm4b:s3+s2], $0x80, v3, vm0, $0xb8;
	[tilespmem:$0x18100] =	vst v63  }
0xfa: {  	s16 =	simm.s32 $0x8100  }
0xfb: {  	[tilespmem:s16], [sflag:$0x1] =	stream.indirect_vreg.gather [hbm4b:s4+s2], $0x80, v3, vm0, $0xb8;
	[tilespmem:$0x18100] =	vst v63  }
0xfc: {  	_ = 	snop  }
0xfd: {  	[tilespmem:s11], [sflag:$0x1] =	stream.indirect_vreg.gather [hbm4b:s5+s2], $0x80, v3, vm0, $0xb8;
	[tilespmem:$0x18100] =	vst v63  }
0xfe: {  	v3 =	vld [tilespmem:$0x30];
	_ =	sdelay $0x4  }
0xff: {  	v59 =	vshrl.u32 v3, $0x3  }
0x100: {  	v4 =	vmul.u32 $0x30, v59  }
0x101: {  	v3 =	vand.u32 $0x7, v3  }
0x102: {  	v3 =	vor.u32 v3, v4  }
0x103: {  	v4 =	vperm.xlane v3, v0;
	_ =	sdelay $0x1  }
0x104: {  	v4 =	vadd.s32 v1, v4;
	_ =	sdelay $0x3  }
0x105: {  	s16 =	simm.s32 $0x9100;
	v3 =	vperm.xlane v3, v2  }
0x106: {  	[tilespmem:s16], [sflag:$0x1] =	stream.indirect_vreg.gather [hbm4b:s3+s2], $0x80, v4, vm0, $0xb8;
	[tilespmem:$0x18100] =	vst v63  }
0x107: {  	v3 =	vadd.s32 v1, v3;
	s16 =	simm.s32 $0x9900  }
0x108: {  	[tilespmem:s16], [sflag:$0x1] =	stream.indirect_vreg.gather [hbm4b:s4+s2], $0x80, v4, vm0, $0xb8;
	[tilespmem:$0x18100] =	vst v63  }
0x109: {  	s16 =	simm.s32 $0xA100  }
0x10a: {  	[tilespmem:s16], [sflag:$0x1] =	stream.indirect_vreg.gather [hbm4b:s5+s2], $0x80, v4, vm0, $0xb8;
	[tilespmem:$0x18100] =	vst v63  }
0x10b: {  	_ = 	snop  }
0x10c: {  	[tilespmem:s12], [sflag:$0x1] =	stream.indirect_vreg.gather [hbm4b:s3+s2], $0x80, v3, vm0, $0xb8;
	[tilespmem:$0x18100] =	vst v63  }
0x10d: {  	s16 =	simm.s32 $0xB100  }
0x10e: {  	[tilespmem:s16], [sflag:$0x1] =	stream.indirect_vreg.gather [hbm4b:s4+s2], $0x80, v3, vm0, $0xb8;
	[tilespmem:$0x18100] =	vst v63  }
0x10f: {  	_ = 	snop  }
0x110: {  	[tilespmem:s7], [sflag:$0x1] =	stream.indirect_vreg.gather [hbm4b:s5+s2], $0x80, v3, vm0, $0xb8;
	[tilespmem:$0x18100] =	vst v63  }
0x111: {  	_ =	swait.ge [sflag:s14], $0xC000  }
0x112: {  	[sflag:s14] =	ssyncset.done $0x0  }
0x113: {  	s8 =	rddreg [dreg:$0x7];
	[sflag:s14] =	ssyncadd.s32 $0xFFFF4000  }
0x114: {  	[hbm4b:s8+s2] =	stream.linear.scatter [tilespmem:s1], [sflag:$0x6], $0xC000, $0x38;
	[tilespmem:$0x18100] =	vst v63  }
0x115: {  	_ =	swait.ge [sflag:s15], $0xC000  }
0x116: {  	[sflag:s15] =	ssyncset.done $0x0  }
0x117: {  	s8 =	simm.s32 $0x80;
	s7 =	rddreg [dreg:$0x8];
	[sflag:s15] =	ssyncadd.s32 $0xFFFF4000  }
0x118: {  	[tilespmem:s8], [sflag:$0x4] =	stream.linear.gather [hbm4b:s7+s2], $0x40, $0x38;
	[tilespmem:$0x18100] =	vst v63  }
0x119: {  	_ =	swait.ge [sflag:s0], $0x40  }
0x11a: {  	[sflag:s0] =	ssyncset.done $0x0  }
0x11b: {  	[sflag:s0] =	ssyncadd.s32 $0xFFFFFFC0  }
0x11c: {  	v3 =	vld [tilespmem:$0x80];
	_ =	sdelay $0x4  }
0x11d: {  	v60 =	vshrl.u32 v3, $0x3  }
0x11e: {  	v4 =	vmul.u32 $0x30, v60  }
0x11f: {  	v3 =	vand.u32 $0x7, v3  }
0x120: {  	v3 =	vor.u32 v3, v4  }
0x121: {  	v4 =	vperm.xlane v3, v0;
	_ =	sdelay $0x1  }
0x122: {  	v4 =	vadd.s32 v1, v4;
	_ =	sdelay $0x3  }
0x123: {  	v3 =	vperm.xlane v3, v2  }
0x124: {  	[tilespmem:s1], [sflag:$0x2] =	stream.indirect_vreg.gather [hbm4b:s3+s2], $0x80, v4, vm0, $0xb8;
	[tilespmem:$0x18100] =	vst v63  }
0x125: {  	s16 =	simm.s32 $0xC900;
	v3 =	vadd.s32 v1, v3  }
0x126: {  	[tilespmem:s16], [sflag:$0x2] =	stream.indirect_vreg.gather [hbm4b:s4+s2], $0x80, v4, vm0, $0xb8;
	[tilespmem:$0x18100] =	vst v63  }
0x127: {  	s7 =	simm.s32 $0xD100  }
0x128: {  	[tilespmem:s7], [sflag:$0x2] =	stream.indirect_vreg.gather [hbm4b:s5+s2], $0x80, v4, vm0, $0xb8;
	[tilespmem:$0x18100] =	vst v63  }
0x129: {  	s8 =	simm.s32 $0xD900  }
0x12a: {  	[tilespmem:s8], [sflag:$0x2] =	stream.indirect_vreg.gather [hbm4b:s3+s2], $0x80, v3, vm0, $0xb8;
	[tilespmem:$0x18100] =	vst v63  }
0x12b: {  	s16 =	simm.s32 $0xE100  }
0x12c: {  	[tilespmem:s16], [sflag:$0x2] =	stream.indirect_vreg.gather [hbm4b:s4+s2], $0x80, v3, vm0, $0xb8;
	[tilespmem:$0x18100] =	vst v63  }
0x12d: {  	s7 =	simm.s32 $0xE900  }
0x12e: {  	[tilespmem:s7], [sflag:$0x2] =	stream.indirect_vreg.gather [hbm4b:s5+s2], $0x80, v3, vm0, $0xb8;
	[tilespmem:$0x18100] =	vst v63  }
0x12f: {  	v3 =	vld [tilespmem:$0x90];
	_ =	sdelay $0x4  }
0x130: {  	v61 =	vshrl.u32 v3, $0x3  }
0x131: {  	v4 =	vmul.u32 $0x30, v61  }
0x132: {  	v3 =	vand.u32 $0x7, v3  }
0x133: {  	v3 =	vor.u32 v3, v4  }
0x134: {  	v4 =	vperm.xlane v3, v0;
	_ =	sdelay $0x1  }
0x135: {  	v4 =	vadd.s32 v1, v4;
	_ =	sdelay $0x3  }
0x136: {  	s8 =	simm.s32 $0xF100;
	v3 =	vperm.xlane v3, v2  }
0x137: {  	[tilespmem:s8], [sflag:$0x2] =	stream.indirect_vreg.gather [hbm4b:s3+s2], $0x80, v4, vm0, $0xb8;
	[tilespmem:$0x18100] =	vst v63  }
0x138: {  	s16 =	simm.s32 $0xF900;
	v3 =	vadd.s32 v1, v3  }
0x139: {  	[tilespmem:s16], [sflag:$0x2] =	stream.indirect_vreg.gather [hbm4b:s4+s2], $0x80, v4, vm0, $0xb8;
	[tilespmem:$0x18100] =	vst v63  }
0x13a: {  	s7 =	simm.s32 $0x10100  }
0x13b: {  	[tilespmem:s7], [sflag:$0x2] =	stream.indirect_vreg.gather [hbm4b:s5+s2], $0x80, v4, vm0, $0xb8;
	[tilespmem:$0x18100] =	vst v63  }
0x13c: {  	s8 =	simm.s32 $0x10900  }
0x13d: {  	[tilespmem:s8], [sflag:$0x2] =	stream.indirect_vreg.gather [hbm4b:s3+s2], $0x80, v3, vm0, $0xb8;
	[tilespmem:$0x18100] =	vst v63  }
0x13e: {  	s16 =	simm.s32 $0x11100  }
0x13f: {  	[tilespmem:s16], [sflag:$0x2] =	stream.indirect_vreg.gather [hbm4b:s4+s2], $0x80, v3, vm0, $0xb8;
	[tilespmem:$0x18100] =	vst v63  }
0x140: {  	s7 =	simm.s32 $0x11900  }
0x141: {  	[tilespmem:s7], [sflag:$0x2] =	stream.indirect_vreg.gather [hbm4b:s5+s2], $0x80, v3, vm0, $0xb8;
	[tilespmem:$0x18100] =	vst v63  }
0x142: {  	v3 =	vld [tilespmem:$0xA0];
	_ =	sdelay $0x4  }
0x143: {  	v62 =	vshrl.u32 v3, $0x3  }
0x144: {  	v4 =	vmul.u32 $0x30, v62  }
0x145: {  	v3 =	vand.u32 $0x7, v3  }
0x146: {  	v3 =	vor.u32 v3, v4  }
0x147: {  	v4 =	vperm.xlane v3, v0;
	_ =	sdelay $0x1  }
0x148: {  	v4 =	vadd.s32 v1, v4;
	_ =	sdelay $0x3  }
0x149: {  	s8 =	simm.s32 $0x12100;
	v3 =	vperm.xlane v3, v2  }
0x14a: {  	[tilespmem:s8], [sflag:$0x2] =	stream.indirect_vreg.gather [hbm4b:s3+s2], $0x80, v4, vm0, $0xb8;
	[tilespmem:$0x18100] =	vst v63  }
0x14b: {  	s16 =	simm.s32 $0x12900;
	v3 =	vadd.s32 v1, v3  }
0x14c: {  	[tilespmem:s16], [sflag:$0x2] =	stream.indirect_vreg.gather [hbm4b:s4+s2], $0x80, v4, vm0, $0xb8;
	[tilespmem:$0x18100] =	vst v63  }
0x14d: {  	s7 =	simm.s32 $0x13100  }
0x14e: {  	[tilespmem:s7], [sflag:$0x2] =	stream.indirect_vreg.gather [hbm4b:s5+s2], $0x80, v4, vm0, $0xb8;
	[tilespmem:$0x18100] =	vst v63  }
0x14f: {  	s8 =	simm.s32 $0x13900  }
0x150: {  	[tilespmem:s8], [sflag:$0x2] =	stream.indirect_vreg.gather [hbm4b:s3+s2], $0x80, v3, vm0, $0xb8;
	[tilespmem:$0x18100] =	vst v63  }
0x151: {  	s16 =	simm.s32 $0x14100  }
0x152: {  	[tilespmem:s16], [sflag:$0x2] =	stream.indirect_vreg.gather [hbm4b:s4+s2], $0x80, v3, vm0, $0xb8;
	[tilespmem:$0x18100] =	vst v63  }
0x153: {  	s7 =	simm.s32 $0x14900  }
0x154: {  	[tilespmem:s7], [sflag:$0x2] =	stream.indirect_vreg.gather [hbm4b:s5+s2], $0x80, v3, vm0, $0xb8;
	[tilespmem:$0x18100] =	vst v63  }
0x155: {  	v3 =	vld [tilespmem:$0xB0];
	_ =	sdelay $0x4  }
0x156: {  	v63 =	vshrl.u32 v3, $0x3  }
0x157: {  	v4 =	vmul.u32 $0x30, v63  }
0x158: {  	v3 =	vand.u32 $0x7, v3  }
0x159: {  	v3 =	vor.u32 v3, v4  }
0x15a: {  	v4 =	vperm.xlane v3, v0;
	_ =	sdelay $0x1  }
0x15b: {  	v4 =	vadd.s32 v1, v4;
	_ =	sdelay $0x3  }
0x15c: {  	s8 =	simm.s32 $0x15100;
	v3 =	vperm.xlane v3, v2  }
0x15d: {  	[tilespmem:s8], [sflag:$0x2] =	stream.indirect_vreg.gather [hbm4b:s3+s2], $0x80, v4, vm0, $0xb8;
	[tilespmem:$0x18100] =	vst v63  }
0x15e: {  	s16 =	simm.s32 $0x15900;
	v3 =	vadd.s32 v1, v3  }
0x15f: {  	[tilespmem:s16], [sflag:$0x2] =	stream.indirect_vreg.gather [hbm4b:s4+s2], $0x80, v4, vm0, $0xb8;
	[tilespmem:$0x18100] =	vst v63  }
0x160: {  	s7 =	simm.s32 $0x16100  }
0x161: {  	[tilespmem:s7], [sflag:$0x2] =	stream.indirect_vreg.gather [hbm4b:s5+s2], $0x80, v4, vm0, $0xb8;
	[tilespmem:$0x18100] =	vst v63  }
0x162: {  	s8 =	simm.s32 $0x16900  }
0x163: {  	[tilespmem:s8], [sflag:$0x2] =	stream.indirect_vreg.gather [hbm4b:s3+s2], $0x80, v3, vm0, $0xb8;
	[tilespmem:$0x18100] =	vst v63  }
0x164: {  	s16 =	simm.s32 $0x17100  }
0x165: {  	[tilespmem:s16], [sflag:$0x2] =	stream.indirect_vreg.gather [hbm4b:s4+s2], $0x80, v3, vm0, $0xb8;
	[tilespmem:$0x18100] =	vst v63  }
0x166: {  	s7 =	simm.s32 $0x17900  }
0x167: {  	[tilespmem:s7], [sflag:$0x2] =	stream.indirect_vreg.gather [hbm4b:s5+s2], $0x80, v3, vm0, $0xb8;
	[tilespmem:$0x18100] =	vst v63  }
0x168: {  	_ =	swait.ge [sflag:s13], $0xC000  }
0x169: {  	[sflag:s13] =	ssyncset.done $0x0  }
0x16a: {  	s9 =	simm.s32 $0x100;
	s8 =	rddreg [dreg:$0x9];
	[sflag:s13] =	ssyncadd.s32 $0xFFFF4000  }
0x16b: {  	[hbm4b:s8+s2] =	stream.linear.scatter [tilespmem:s9], [sflag:$0x5], $0xC000, $0x38;
	[tilespmem:$0x18100] =	vst v63  }
0x16c: {  	_ =	swait.ge [sflag:s14], $0xC000  }
0x16d: {  	[sflag:s14] =	ssyncset.done $0x0  }
0x16e: {  	s9 =	rddreg [dreg:$0xa];
	[sflag:s14] =	ssyncadd.s32 $0xFFFF4000  }
0x16f: {  	[hbm4b:s9+s2] =	stream.linear.scatter [tilespmem:s1], [sflag:$0x6], $0xC000, $0x38;
	[tilespmem:$0x18100] =	vst v63  }
0x170: {  	p0 =	sne.s32 s6, $0x1;
	_ =	swait.ge [sflag:s10], $0xC000  }
.Ltmp0:
0x171: {  	[sflag:s10] =	ssyncset.done $0x0;
	(pc) =	sbr.rel @p0 .LBB2_1-.Ltmp0, $4  }
0x172: {  	[sflag:s10] =	ssyncadd.s32 $0xFFFF4000  }
0x173: {  	_ =	swait.ge [sflag:s15], $0xC000  }
0x174: {  	[sflag:s15] =	ssyncset.done $0x0  }
0x175: {  	s6 =	sadd.s32 $0xFFFFFFFF, s6;
	[sflag:s15] =	ssyncadd.s32 $0xFFFF4000  }
0x176: {  	_ =	sfence.sel $0x180000  }
0x177: {  	[bflag:$0x0] =	sbarrier.arrive $0xFFFF  }
0x178: {  	_ =	strace $0x9000004A  }
0x179: {  	s0 =	stileid.u32;
	[bflag:$0x2] =	sbarrier.arrive $0xFFFF  }
0x17a: {  	p0 =	sne.s32 s0, $0x0;
	s0 =	rddreg [dreg:$0x2]  }
0x17b: {  	s0 =	sadd.s32 @!p0 $0x100000, s0  }
0x17c: {  	[sflag:s0] =	ssyncadd.tile.s32 @!p0 $0x1;
	_ =	shalt  }
.Lfunc_end2:
_tile_overlayer_lowered:
.L_overlay_start_2:
0x17d: {  	(tag) =	ssettag $0x2  }
0x17e: {  	s0 =	rddreg [dreg:$0x0];
	s2 =	stileid.u32  }
0x17f: {  	s1 =	rddreg [dreg:$0x1];
	p0 =	sne.s32 s2, $0x0  }
0x180: {  	s3 =	rddreg [dreg:$0x2];
	[bflag:$0x3] =	sbarrier.arrive $0xFFFF;
	s2 =	simm.s32 @!p0 $0x1C07  }
0x181: {  	[timem:s3], [sflag:s2] =	dma.local @!p0 [hbm:s0], s1  }
0x182: {  	s0 =	simm.s32 @!p0 $0x7  }
0x183: {  	_ =	swait.ge @!p0 [sflag:s0], s1  }
0x184: {  	s1 =	ssub.s32 @!p0 $0x0, s1;
	[sflag:s0] =	ssyncset.done @!p0 $0x0  }
0x185: {  	[sflag:s0] =	ssyncadd.s32 @!p0 s1  }
0x186: {  	[bflag:$0x3] =	sbarrier.arrive $0xFFFF  }
0x187: {  	_ =	shalt  }

// kernel: kernel.7.cloned.1.call-start
scs
__scs_entry_jumppad:
0x0: {  	(pc) =	sbr.rel $0x88, $3  }
0x1: {  	(tag) =	ssettag $0x0;
	lr =	simm.s32 $0x1  }
0x2: {  	[smem:$0x3F9D] =	sst lr;
	_ =	strace $0xD0000000  }
0x3: {  	_ = 	snop  }
0x4: {  	_ = 	snop  }
0x5: {  	_ = 	snop  }
0x6: {  	_ = 	snop  }
0x7: {  	_ = 	snop  }
__scs_overlays_trampoline_lowered:
0x8: {  	[smem:$0x3FAC] =	sst s0  }
0x9: {  	[smem:$0x3FAD] =	sst s1  }
0xa: {  	[smem:$0x3FAE] =	sst s2  }
0xb: {  	[smem:$0x3FAF] =	sst s3  }
0xc: {  	[smem:$0x3FB0] =	sst s4  }
0xd: {  	[smem:$0x3FB1] =	sst s5  }
0xe: {  	[smem:$0x3FB2] =	sst s6  }
0xf: {  	[smem:$0x3FB3] =	sst s7  }
0x10: {  	[smem:$0x3FB4] =	sst s8  }
0x11: {  	[smem:$0x3FB5] =	sst s9;
	s0 =	simm.s32 @!p0 $0x0  }
0x12: {  	s1 =	sld [smem:$0x3F9B];
	s0 =	simm.s32 @p0 $0x1  }
0x13: {  	[smem:$0x3FB6] =	sst s0;
	s0 =	simm.s32 @!p1 $0x0  }
0x14: {  	s2 =	sld [smem:$0x3F9A];
	s0 =	simm.s32 @p1 $0x1  }
0x15: {  	[smem:$0x3FB7] =	sst s0;
	s0 =	simm.s32 @!p2 $0x0  }
0x16: {  	s3 =	sld [smem:$0x3FDB];
	s0 =	simm.s32 @p2 $0x1  }
0x17: {  	s4 =	simm.s32 $0x1BF5;
	[smem:$0x3FB9] =	sst s0  }
0x18: {  	s0 =	sld [smem:$0x3F9C];
	_ =	swait.ge [sflag:s4], $0x0  }
0x19: {  	s7 =	sld [smem:$0x3F9D]  }
0x1a: {  	s8 =	sadd.s32 $0xFFFFE003, lr  }
0x1b: {  	s9 =	sadd.s32 $0xFFFFFEF7, lr;
	s5 =	simm.s32 $0xFFFFFFFF;
	p2 =	slt.u32 s8, $0xFFFFF086  }
0x1c: {  	p1 =	slt.u32 s9, $0xF7A;
	s5 =	simm.s32 @!p2 $0x0  }
0x1d: {  	s5 =	simm.s32 @p1 $0x1;
	p0 =	seq.s32 s7, s2  }
0x1e: {  	s7 =	smul.u32 @!p0 $0xF7A, s2;
	p2 =	seq.s32 @!p0 s5, $0x0  }
0x1f: {  	s9 =	smul.u32 $0xF7A, s1;
	s8 =	simm.s32 @!p0 $0x1BF5;
	p2 =	por !p2, p0  }
0x20: {  	[sflag:s8] =	ssyncset.s32 @!p0 $0xFFFFF086;
	s6 =	sadd.s32 @!p0 s3, s7;
	s7 =	simm.s32 @!p0 $0x108  }
0x21: {  	s3 =	sadd.s32 s3, s9;
	s6 =	sadd.s32 @!p0 $0x88, s6;
	s7 =	simm.s32 @p2 $0x1082  }
0x22: {  	[simem:s7], [sflag:s8] =	dma.local @!p0 [hbm:s6], $0xF7A  }
0x23: {  	s9 =	sor.u32 $0xD0000000, s2;
	s6 =	simm.s32 $0x108;
	_ =	swait.ge @!p0 [sflag:s8], $0x0  }
0x24: {  	s3 =	sadd.s32 $0x88, s3;
	s6 =	simm.s32 @!p1 $0x1082;
	[sflag:s4] =	ssyncset.s32 $0xFFFFF086  }
0x25: {  	[simem:s6], [sflag:s4] =	dma.local [hbm:s3], $0xF7A  }
0x26: {  	[smem:$0x3F9D] =	sst s1;
	(tag) =	ssettag s2;
	_ =	strace s9  }
0x27: {  	s1 =	sld [smem:$0x3FAD]  }
0x28: {  	s2 =	sld [smem:$0x3FAE]  }
0x29: {  	s4 =	sld [smem:$0x3FB0]  }
0x2a: {  	p0 =	seq.s32 s5, $0x0;
	s5 =	sld [smem:$0x3FB1]  }
0x2b: {  	s6 =	sld [smem:$0x3FB2]  }
0x2c: {  	s7 =	sld [smem:$0x3FB3]  }
0x2d: {  	s3 =	simm.s32 $0x108;
	s8 =	sld [smem:$0x3FB4]  }
0x2e: {  	s3 =	simm.s32 @!p0 $0x1082;
	s9 =	sld [smem:$0x3FB5]  }
0x2f: {  	lr =	sadd.s32 s0, s3;
	s0 =	sld [smem:$0x3FAC]  }
0x30: {  	s3 =	sld [smem:$0x3FAF]  }
0x31: {  	[smem:$0x3FB8] =	sst s10  }
0x32: {  	s10 =	sld [smem:$0x3FB6];
	_ =	sdelay $0x3  }
0x33: {  	p0 =	seq.s32 s10, $0x1;
	s10 =	sld [smem:$0x3FB8];
	_ =	sdelay $0x3  }
0x34: {  	[smem:$0x3FB8] =	sst s10  }
0x35: {  	s10 =	sld [smem:$0x3FB7];
	_ =	sdelay $0x3  }
0x36: {  	p1 =	seq.s32 s10, $0x1;
	s10 =	sld [smem:$0x3FB8];
	_ =	sdelay $0x3  }
0x37: {  	[smem:$0x3FB8] =	sst s10  }
0x38: {  	s10 =	sld [smem:$0x3FB9]  }
0x39: {  	_ = 	snop;
	(pc) =	sbr.ind lr, $3  }
0x3a: {  	_ = 	snop  }
0x3b: {  	_ = 	snop  }
0x3c: {  	p2 =	seq.s32 s10, $0x1;
	s10 =	sld [smem:$0x3FB8]  }
0x3d: {  	_ =	shalt  }
0x3e: {  	_ =	shalt  }
0x3f: {  	_ =	shalt  }
0x40: {  	_ =	shalt  }
0x41: {  	_ =	shalt  }
0x42: {  	_ =	shalt  }
0x43: {  	_ =	shalt  }
0x44: {  	_ =	shalt  }
0x45: {  	_ =	shalt  }
0x46: {  	_ =	shalt  }
0x47: {  	_ =	shalt  }
0x48: {  	_ =	shalt  }
0x49: {  	_ =	shalt  }
0x4a: {  	_ =	shalt  }
0x4b: {  	_ =	shalt  }
0x4c: {  	_ =	shalt  }
0x4d: {  	_ =	shalt  }
0x4e: {  	_ =	shalt  }
0x4f: {  	_ =	shalt  }
0x50: {  	_ =	shalt  }
0x51: {  	_ =	shalt  }
0x52: {  	_ =	shalt  }
0x53: {  	_ =	shalt  }
0x54: {  	_ =	shalt  }
0x55: {  	_ =	shalt  }
0x56: {  	_ =	shalt  }
0x57: {  	_ =	shalt  }
0x58: {  	_ =	shalt  }
0x59: {  	_ =	shalt  }
0x5a: {  	_ =	shalt  }
0x5b: {  	_ =	shalt  }
0x5c: {  	_ =	shalt  }
0x5d: {  	_ =	shalt  }
0x5e: {  	_ =	shalt  }
0x5f: {  	_ =	shalt  }
0x60: {  	_ =	shalt  }
0x61: {  	_ =	shalt  }
0x62: {  	_ =	shalt  }
0x63: {  	_ =	shalt  }
0x64: {  	_ =	shalt  }
0x65: {  	_ =	shalt  }
0x66: {  	_ =	shalt  }
0x67: {  	_ =	shalt  }
0x68: {  	_ =	shalt  }
0x69: {  	_ =	shalt  }
0x6a: {  	_ =	shalt  }
0x6b: {  	_ =	shalt  }
0x6c: {  	_ =	shalt  }
0x6d: {  	_ =	shalt  }
0x6e: {  	_ =	shalt  }
0x6f: {  	_ =	shalt  }
0x70: {  	_ =	shalt  }
0x71: {  	_ =	shalt  }
0x72: {  	_ =	shalt  }
0x73: {  	_ =	shalt  }
0x74: {  	_ =	shalt  }
0x75: {  	_ =	shalt  }
0x76: {  	_ =	shalt  }
0x77: {  	_ =	shalt  }
0x78: {  	_ =	shalt  }
0x79: {  	_ =	shalt  }
0x7a: {  	_ =	shalt  }
0x7b: {  	_ =	shalt  }
0x7c: {  	_ =	shalt  }
0x7d: {  	_ =	shalt  }
0x7e: {  	_ =	shalt  }
0x7f: {  	_ =	shalt  }
0x80: {  	_ =	shalt  }
0x81: {  	_ =	shalt  }
0x82: {  	_ =	shalt  }
0x83: {  	_ =	shalt  }
0x84: {  	_ =	shalt  }
0x85: {  	_ =	shalt  }
0x86: {  	_ =	shalt  }
0x87: {  	_ =	shalt  }
.Lfunc_end0:
.L_simem_size_0:
called_computation_lowered:
.L_overlay_start_0:
0x88: {  	s2 =	sld [smem:$0x3FD9]  }
0x89: {  	s3 =	sld [smem:$0x3FFE];
	_ =	sdelay $0x1  }
0x8a: {  	s1 =	srdreg.scid  }
0x8b: {  	s0 =	sand.u32 $0x1, s1  }
0x8c: {  	s17 =	sshll.u32 s0, $0xA;
	s2 =	sadd.s32 s3, s2  }
0x8d: {  	s2 =	sadd.s32 s2, s17  }
0x8e: {  	[smem:$0x3FC4] =	sst s2  }
0x8f: {  	_ = 	snop  }
0x90: {  	s2 =	sld [smem:$0x3FC9];
	(tm) =	ssettm $0x1  }
0x91: {  	s18 =	sld [smem:$0x3FFB];
	_ =	sdelay $0x3  }
0x92: {  	_ =	strace s18  }
0x93: {  	s3 =	sld [smem:$0x3FFC];
	_ =	sdelay $0x3  }
0x94: {  	_ =	strace s3  }
0x95: {  	s3 =	sld [smem:$0x3FFD];
	_ =	sdelay $0x3  }
0x96: {  	_ =	strace s3  }
0x97: {  	_ =	strace $0x8FFFFFFF  }
0x98: {  	s19 =	sld [smem:$0x3FDB];
	_ =	sdelay $0x1  }
0x99: {  	s4 =	simm.s32 $_scs_section_size  }
0x9a: {  	s5 =	simm.s32 $_size__tile_overlayer_lowered;
	s6 =	simm.s32 $_tile_overlayer_lowered  }
0x9b: {  	s22 =	simm.s32 $0x1BFF;
	s21 =	sshll.u32 s6, $0x1;
	s3 =	sadd.s32 s4, s19  }
0x9c: {  	s7 =	simm.s32 $0x0;
	s20 =	sshll.u32 s5, $0x1;
	s5 =	sadd.s32 s21, s3  }
0x9d: {  	[timem:s7], [sflag:s22] =	dma.local [hbm:s5], s20  }
0x9e: {  	_ =	swait.ge [sflag:s22], s20  }
0x9f: {  	s4 =	ssub.s32 $0x0, s20;
	[sflag:s22] =	ssyncset.done $0x0  }
0xa0: {  	[sflag:s22] =	ssyncadd.s32 s4;
	_ =	sdelay $0x1  }
0xa1: {  	s23 =	simm.s32 $0x1B8B  }
0xa2: {  	_ =	swait.ge [sflag:s23], $0x1  }
0xa3: {  	[sflag:s23] =	ssyncset.done $0x0  }
0xa4: {  	s25 =	simm.s32 $0x1B8E;
	s24 =	sld [smem:$0x3FFE];
	[sflag:s23] =	ssyncadd.s32 $0xFFFFFFFF  }
0xa5: {  	s26 =	simm.s32 $execute0_lowered;
	[smem:$0x3FD2] =	sst s25  }
0xa6: {  	s5 =	sshll.u32 s26, $0x1;
	_ =	strace $0x80000046;
	[dreg:$0x1] =	wrdreg $0xFFFFFFFF  }
0xa7: {  	s28 =	simm.s32 $_size_execute0_lowered;
	s3 =	sadd.s32 s3, s5;
	[dreg:$0x0] =	wrdreg $0x0  }
0xa8: {  	s5 =	sshll.u32 s28, $0x1;
	[dreg:$0x2] =	wrdreg s3  }
0xa9: {  	[dreg:$0x3] =	wrdreg s5  }
0xaa: {  	[dreg:$0x4] =	wrdreg $0xC0  }
0xab: {  	_ =	task [dreg:s7], $0x5FFFF  }
0xac: {  	[dreg:$0x1] =	wrdreg $0xFFFFFFFF  }
0xad: {  	[dreg:$0x0] =	wrdreg $0x60  }
0xae: {  	[dreg:$0x2] =	wrdreg s2  }
0xaf: {  	[dreg:$0x3] =	wrdreg s24  }
0xb0: {  	[dreg:$0x4] =	wrdreg $0x9  }
0xb1: {  	_ =	task.clear_ibuf [dreg:s7], $0x5FFFF;
	_ =	strace $0x90000046  }
0xb2: {  	s29 =	simm.s32 $0x9;
	_ =	strace $0x80000048  }
0xb3: {  	_ =	swait.ge [sflag:s29], $0x1  }
0xb4: {  	[sflag:s29] =	ssyncadd.s32 $0xFFFFFFFF  }
0xb5: {  	_ =	strace $0x90000048  }
0xb6: {  	_ =	sfence  }
0xb7: {  	s30 =	sld [smem:$0x0];
	_ =	sdelay $0x2  }
0xb8: {  	s31 =	sshll.u32 s1, $0xD;
	s1 =	sshrl.u32 s1, $0x2  }
0xb9: {  	s3 =	sand.u32 $0x4000, s31;
	s1 =	sadd.s32 s1, s30  }
0xba: {  	s0 =	sor.u32 s3, s0;
	s1 =	sshll.u32 s1, $0x11  }
0xbb: {  	s0 =	sor.u32 s1, s0  }
0xbc: {  	s0 =	sadd.s32 $0x8F2B, s0  }
0xbd: {  	[sflag:s0] =	ssyncadd.remote.s32 $0x1  }
0xbe: {  	_ =	sfence.sel $0xFFFF  }
0xbf: {  	[dreg:$0x0] =	wrdreg $0xFFFFFFFF;
	(pc) =	sbr.abs _section_cstart, $3  }
0xc0: {  	[dreg:$0x1] =	wrdreg $0xFFFFFFFF  }
0xc1: {  	_ =	task.clear_ibuf [dreg:s7], $0x2FFFF;
	_ =	strace $0x9FFFFFFF  }
0xc2: {  	(tm) =	ssettm $0x7FFFFFFF  }
0xc3: {  	_ =	shalt  }
tec
execute0_lowered:
.L_overlay_start_1:
0x0: {  	(tag) =	ssettag $0x1  }
0x1: {  	s0 =	rddreg [dreg:$0x0]  }
0x2: {  	s1 =	rddreg [dreg:$0x1];
	s2 =	srdreg.scid  }
0x3: {  	s3 =	stileid.u32;
	s13 =	simm.s32 $0x3;
	s12 =	simm.s32 $0xD100  }
0x4: {  	s14 =	simm.s32 $0xD900;
	s15 =	simm.s32 $0xE100;
	s16 =	simm.s32 $0xE900  }
0x5: {  	s17 =	simm.s32 $0xF100;
	s28 =	simm.s32 $0x12900;
	s29 =	simm.s32 $0x13100  }
0x6: {  	s30 =	simm.s32 $0x13900;
	s31 =	simm.s32 $0x14100;
	s4 =	sand.u32 $0x1, s2  }
0x7: {  	s2 =	simm.s32 $0x0;
	s3 =	sshll.u32 s3, $0x6;
	s6 =	sadd.s32 $0xA00, s1  }
0x8: {  	s5 =	sshll.u32 s4, $0x5;
	[smem:$0x7FF] =	sst s2;
	s4 =	ssub.s32 $0x2, s4  }
0x9: {  	s5 =	sor.u32 s5, s3;
	_ =	strace $0x80000047;
	s3 =	sadd.s32 $0xE00, s1  }
0xa: {  	s9 =	sshrl.u32 s4, $0x1;
	s7 =	smul.u32 $0x300, s5;
	s8 =	sor.u32 $0x8, s5  }
0xb: {  	s18 =	sadd.s32 s6, s5;
	s11 =	sor.u32 $0x10, s5;
	s22 =	sor.u32 $0x18, s5  }
0xc: {  	s9 =	ssub.s32 s4, s9;
	s4 =	sadd.s32 $0xF00, s1;
	s10 =	smul.u32 $0x300, s8  }
0xd: {  	s5 =	sadd.s32 $0x1000, s1;
	[dreg:$0x4] =	wrdreg s18;
	s20 =	smul.u32 $0x300, s11  }
0xe: {  	s21 =	sadd.s32 s6, s8;
	s24 =	smul.u32 $0x300, s22;
	s25 =	sadd.s32 s6, s11  }
0xf: {  	s26 =	sadd.s32 s6, s22;
	s6 =	smax.u32 s9, $0x1;
	[dreg:$0x6] =	wrdreg s21  }
0x10: {  	s11 =	simm.s32 $0x1;
	s9 =	simm.s32 $0xC900;
	[dreg:$0x8] =	wrdreg s25  }
0x11: {  	s18 =	simm.s32 $0xF900;
	s7 =	sadd.s32 s0, s7;
	[dreg:$0xa] =	wrdreg s26  }
0x12: {  	s25 =	simm.s32 $0x11900;
	s26 =	simm.s32 $0x12100;
	[dreg:$0x3] =	wrdreg s7  }
0x13: {  	s19 =	sadd.s32 s0, s10;
	s23 =	sadd.s32 s0, s20;
	s0 =	sadd.s32 s0, s24  }
0x14: {  	v2 =	vlaneseq.u32;
	s7 =	simm.s32 $0x6;
	s10 =	simm.s32 $0xC100;
	[dreg:$0x5] =	wrdreg s19  }
0x15: {  	vm0 =	vmmov $0xffff;
	v1 =	vshrl.u32 v2, $0x3;
	s20 =	simm.s32 $0x2;
	s24 =	simm.s32 $0x11100;
	[dreg:$0x7] =	wrdreg s23  }
0x16: {  	v0 =	vand.u32 $0x7, v2;
	v2 =	vor.u32 $0x8, v2;
	v1 =	vmul.u32 $0x8, v1;
	[dreg:$0x9] =	wrdreg s0;
	s19 =	simm.s32 $0x10100;
	s23 =	simm.s32 $0x10900  }
.LBB2_1:
0x17: {  	s21 =	rddreg [dreg:$0x3];
	s8 =	simm.s32 $0x100  }
0x18: {  	[tilespmem:s8], [sflag:$0x1] =	stream.linear.gather [hbm4b:s21+s2], $0xC000, $0x38;
	[tilespmem:$0x18100] =	vst v63  }
0x19: {  	s22 =	rddreg [dreg:$0x4]  }
0x1a: {  	[tilespmem:s2], [sflag:$0x3] =	stream.linear.gather [hbm4b:s22+s2], $0x40, $0x38;
	[tilespmem:$0x18100] =	vst v63  }
0x1b: {  	s0 =	rddreg [dreg:$0x5]  }
0x1c: {  	[tilespmem:s10], [sflag:$0x2] =	stream.linear.gather [hbm4b:s0+s2], $0xC000, $0x38;
	[tilespmem:$0x18100] =	vst v63  }
0x1d: {  	s1 =	rddreg [dreg:$0x6];
	s0 =	simm.s32 $0x80  }
0x1e: {  	[tilespmem:s0], [sflag:$0x4] =	stream.linear.gather [hbm4b:s1+s2], $0x40, $0x38;
	[tilespmem:$0x18100] =	vst v63  }
0x1f: {  	_ =	swait.ge [sflag:s11], $0xC000  }
0x20: {  	[sflag:s11] =	ssyncset.done $0x0  }
0x21: {  	[sflag:s11] =	ssyncadd.s32 $0xFFFF4000  }
0x22: {  	_ =	swait.ge [sflag:s13], $0x40  }
0x23: {  	[sflag:s13] =	ssyncset.done $0x0  }
0x24: {  	[sflag:s13] =	ssyncadd.s32 $0xFFFFFFC0  }
0x25: {  	v3 =	vld [tilespmem:$0x0];
	_ =	sdelay $0x4  }
0x26: {  	v4 =	vshrl.u32 v3, $0x3  }
0x27: {  	v4 =	vmul.u32 $0x30, v4  }
0x28: {  	v3 =	vand.u32 $0x7, v3  }
0x29: {  	v3 =	vor.u32 v3, v4  }
0x2a: {  	v4 =	vperm.xlane v3, v0;
	_ =	sdelay $0x1  }
0x2b: {  	v4 =	vadd.s32 v1, v4;
	_ =	sdelay $0x3  }
0x2c: {  	v3 =	vperm.xlane v3, v2  }
0x2d: {  	[hbm4b:s3+s2] =	stream.indirect_vreg.scatter [tilespmem:s8], [sflag:$0x5], $0x80, v4, vm0, $0xb8;
	[tilespmem:$0x18100] =	vst v63  }
0x2e: {  	s1 =	simm.s32 $0x900;
	v3 =	vadd.s32 v1, v3  }
0x2f: {  	[hbm4b:s4+s2] =	stream.indirect_vreg.scatter [tilespmem:s1], [sflag:$0x5], $0x80, v4, vm0, $0xb8;
	[tilespmem:$0x18100] =	vst v63  }
0x30: {  	s21 =	simm.s32 $0x1100  }
0x31: {  	[hbm4b:s5+s2] =	stream.indirect_vreg.scatter [tilespmem:s21], [sflag:$0x5], $0x80, v4, vm0, $0xb8;
	[tilespmem:$0x18100] =	vst v63  }
0x32: {  	s22 =	simm.s32 $0x1900  }
0x33: {  	[hbm4b:s3+s2] =	stream.indirect_vreg.scatter [tilespmem:s22], [sflag:$0x5], $0x80, v3, vm0, $0xb8;
	[tilespmem:$0x18100] =	vst v63  }
0x34: {  	s1 =	simm.s32 $0x2100  }
0x35: {  	[hbm4b:s4+s2] =	stream.indirect_vreg.scatter [tilespmem:s1], [sflag:$0x5], $0x80, v3, vm0, $0xb8;
	[tilespmem:$0x18100] =	vst v63  }
0x36: {  	s21 =	simm.s32 $0x2900  }
0x37: {  	[hbm4b:s5+s2] =	stream.indirect_vreg.scatter [tilespmem:s21], [sflag:$0x5], $0x80, v3, vm0, $0xb8;
	[tilespmem:$0x18100] =	vst v63  }
0x38: {  	v3 =	vld [tilespmem:$0x10];
	_ =	sdelay $0x4  }
0x39: {  	v49 =	vshrl.u32 v3, $0x3  }
0x3a: {  	v4 =	vmul.u32 $0x30, v49  }
0x3b: {  	v3 =	vand.u32 $0x7, v3  }
0x3c: {  	v3 =	vor.u32 v3, v4  }
0x3d: {  	v4 =	vperm.xlane v3, v0;
	_ =	sdelay $0x1  }
0x3e: {  	v4 =	vadd.s32 v1, v4;
	_ =	sdelay $0x3  }
0x3f: {  	s22 =	simm.s32 $0x3100;
	v3 =	vperm.xlane v3, v2  }
0x40: {  	[hbm4b:s3+s2] =	stream.indirect_vreg.scatter [tilespmem:s22], [sflag:$0x5], $0x80, v4, vm0, $0xb8;
	[tilespmem:$0x18100] =	vst v63  }
0x41: {  	s1 =	simm.s32 $0x3900;
	v3 =	vadd.s32 v1, v3  }
0x42: {  	[hbm4b:s4+s2] =	stream.indirect_vreg.scatter [tilespmem:s1], [sflag:$0x5], $0x80, v4, vm0, $0xb8;
	[tilespmem:$0x18100] =	vst v63  }
0x43: {  	s21 =	simm.s32 $0x4100  }
0x44: {  	[hbm4b:s5+s2] =	stream.indirect_vreg.scatter [tilespmem:s21], [sflag:$0x5], $0x80, v4, vm0, $0xb8;
	[tilespmem:$0x18100] =	vst v63  }
0x45: {  	s22 =	simm.s32 $0x4900  }
0x46: {  	[hbm4b:s3+s2] =	stream.indirect_vreg.scatter [tilespmem:s22], [sflag:$0x5], $0x80, v3, vm0, $0xb8;
	[tilespmem:$0x18100] =	vst v63  }
0x47: {  	s1 =	simm.s32 $0x5100  }
0x48: {  	[hbm4b:s4+s2] =	stream.indirect_vreg.scatter [tilespmem:s1], [sflag:$0x5], $0x80, v3, vm0, $0xb8;
	[tilespmem:$0x18100] =	vst v63  }
0x49: {  	s21 =	simm.s32 $0x5900  }
0x4a: {  	[hbm4b:s5+s2] =	stream.indirect_vreg.scatter [tilespmem:s21], [sflag:$0x5], $0x80, v3, vm0, $0xb8;
	[tilespmem:$0x18100] =	vst v63  }
0x4b: {  	v3 =	vld [tilespmem:$0x20];
	_ =	sdelay $0x4  }
0x4c: {  	v50 =	vshrl.u32 v3, $0x3  }
0x4d: {  	v4 =	vmul.u32 $0x30, v50  }
0x4e: {  	v3 =	vand.u32 $0x7, v3  }
0x4f: {  	v3 =	vor.u32 v3, v4  }
0x50: {  	v4 =	vperm.xlane v3, v0;
	_ =	sdelay $0x1  }
0x51: {  	v4 =	vadd.s32 v1, v4;
	_ =	sdelay $0x3  }
0x52: {  	s22 =	simm.s32 $0x6100;
	v3 =	vperm.xlane v3, v2  }
0x53: {  	[hbm4b:s3+s2] =	stream.indirect_vreg.scatter [tilespmem:s22], [sflag:$0x5], $0x80, v4, vm0, $0xb8;
	[tilespmem:$0x18100] =	vst v63  }
0x54: {  	s1 =	simm.s32 $0x6900;
	v3 =	vadd.s32 v1, v3  }
0x55: {  	[hbm4b:s4+s2] =	stream.indirect_vreg.scatter [tilespmem:s1], [sflag:$0x5], $0x80, v4, vm0, $0xb8;
	[tilespmem:$0x18100] =	vst v63  }
0x56: {  	s21 =	simm.s32 $0x7100  }
0x57: {  	[hbm4b:s5+s2] =	stream.indirect_vreg.scatter [tilespmem:s21], [sflag:$0x5], $0x80, v4, vm0, $0xb8;
	[tilespmem:$0x18100] =	vst v63  }
0x58: {  	s22 =	simm.s32 $0x7900  }
0x59: {  	[hbm4b:s3+s2] =	stream.indirect_vreg.scatter [tilespmem:s22], [sflag:$0x5], $0x80, v3, vm0, $0xb8;
	[tilespmem:$0x18100] =	vst v63  }
0x5a: {  	s1 =	simm.s32 $0x8100  }
0x5b: {  	[hbm4b:s4+s2] =	stream.indirect_vreg.scatter [tilespmem:s1], [sflag:$0x5], $0x80, v3, vm0, $0xb8;
	[tilespmem:$0x18100] =	vst v63  }
0x5c: {  	s21 =	simm.s32 $0x8900  }
0x5d: {  	[hbm4b:s5+s2] =	stream.indirect_vreg.scatter [tilespmem:s21], [sflag:$0x5], $0x80, v3, vm0, $0xb8;
	[tilespmem:$0x18100] =	vst v63  }
0x5e: {  	v3 =	vld [tilespmem:$0x30];
	_ =	sdelay $0x4  }
0x5f: {  	v51 =	vshrl.u32 v3, $0x3  }
0x60: {  	v4 =	vmul.u32 $0x30, v51  }
0x61: {  	v3 =	vand.u32 $0x7, v3  }
0x62: {  	v3 =	vor.u32 v3, v4  }
0x63: {  	v4 =	vperm.xlane v3, v0;
	_ =	sdelay $0x1  }
0x64: {  	v4 =	vadd.s32 v1, v4;
	_ =	sdelay $0x3  }
0x65: {  	s22 =	simm.s32 $0x9100;
	v3 =	vperm.xlane v3, v2  }
0x66: {  	[hbm4b:s3+s2] =	stream.indirect_vreg.scatter [tilespmem:s22], [sflag:$0x5], $0x80, v4, vm0, $0xb8;
	[tilespmem:$0x18100] =	vst v63  }
0x67: {  	s1 =	simm.s32 $0x9900;
	v3 =	vadd.s32 v1, v3  }
0x68: {  	[hbm4b:s4+s2] =	stream.indirect_vreg.scatter [tilespmem:s1], [sflag:$0x5], $0x80, v4, vm0, $0xb8;
	[tilespmem:$0x18100] =	vst v63  }
0x69: {  	s21 =	simm.s32 $0xA100  }
0x6a: {  	[hbm4b:s5+s2] =	stream.indirect_vreg.scatter [tilespmem:s21], [sflag:$0x5], $0x80, v4, vm0, $0xb8;
	[tilespmem:$0x18100] =	vst v63  }
0x6b: {  	s22 =	simm.s32 $0xA900  }
0x6c: {  	[hbm4b:s3+s2] =	stream.indirect_vreg.scatter [tilespmem:s22], [sflag:$0x5], $0x80, v3, vm0, $0xb8;
	[tilespmem:$0x18100] =	vst v63  }
0x6d: {  	s1 =	simm.s32 $0xB100  }
0x6e: {  	[hbm4b:s4+s2] =	stream.indirect_vreg.scatter [tilespmem:s1], [sflag:$0x5], $0x80, v3, vm0, $0xb8;
	[tilespmem:$0x18100] =	vst v63  }
0x6f: {  	s0 =	simm.s32 $0x5;
	s21 =	simm.s32 $0xB900  }
0x70: {  	[hbm4b:s5+s2] =	stream.indirect_vreg.scatter [tilespmem:s21], [sflag:$0x5], $0x80, v3, vm0, $0xb8;
	[tilespmem:$0x18100] =	vst v63  }
0x71: {  	_ =	swait.ge [sflag:s0], $0xC000  }
0x72: {  	[sflag:s0] =	ssyncset.done $0x0  }
0x73: {  	s22 =	rddreg [dreg:$0x7];
	[sflag:s0] =	ssyncadd.s32 $0xFFFF4000  }
0x74: {  	[tilespmem:s8], [sflag:$0x1] =	stream.linear.gather [hbm4b:s22+s2], $0xC000, $0x38;
	[tilespmem:$0x18100] =	vst v63  }
0x75: {  	s1 =	rddreg [dreg:$0x8]  }
0x76: {  	[tilespmem:s2], [sflag:$0x3] =	stream.linear.gather [hbm4b:s1+s2], $0x40, $0x38;
	[tilespmem:$0x18100] =	vst v63  }
0x77: {  	_ =	swait.ge [sflag:s20], $0xC000  }
0x78: {  	[sflag:s20] =	ssyncset.done $0x0  }
0x79: {  	s1 =	simm.s32 $0x4;
	[sflag:s20] =	ssyncadd.s32 $0xFFFF4000  }
0x7a: {  	_ =	swait.ge [sflag:s1], $0x40  }
0x7b: {  	[sflag:s1] =	ssyncset.done $0x0  }
0x7c: {  	[sflag:s1] =	ssyncadd.s32 $0xFFFFFFC0  }
0x7d: {  	v3 =	vld [tilespmem:$0x80];
	_ =	sdelay $0x4  }
0x7e: {  	v52 =	vshrl.u32 v3, $0x3  }
0x7f: {  	v4 =	vmul.u32 $0x30, v52  }
0x80: {  	v3 =	vand.u32 $0x7, v3  }
0x81: {  	v3 =	vor.u32 v3, v4  }
0x82: {  	v4 =	vperm.xlane v3, v0;
	_ =	sdelay $0x1  }
0x83: {  	v4 =	vadd.s32 v1, v4;
	_ =	sdelay $0x3  }
0x84: {  	v3 =	vperm.xlane v3, v2  }
0x85: {  	[hbm4b:s3+s2] =	stream.indirect_vreg.scatter [tilespmem:s10], [sflag:$0x6], $0x80, v4, vm0, $0xb8;
	[tilespmem:$0x18100] =	vst v63  }
0x86: {  	v3 =	vadd.s32 v1, v3  }
0x87: {  	[hbm4b:s4+s2] =	stream.indirect_vreg.scatter [tilespmem:s9], [sflag:$0x6], $0x80, v4, vm0, $0xb8;
	[tilespmem:$0x18100] =	vst v63  }
0x88: {  	_ = 	snop  }
0x89: {  	[hbm4b:s5+s2] =	stream.indirect_vreg.scatter [tilespmem:s12], [sflag:$0x6], $0x80, v4, vm0, $0xb8;
	[tilespmem:$0x18100] =	vst v63  }
0x8a: {  	_ = 	snop  }
0x8b: {  	[hbm4b:s3+s2] =	stream.indirect_vreg.scatter [tilespmem:s14], [sflag:$0x6], $0x80, v3, vm0, $0xb8;
	[tilespmem:$0x18100] =	vst v63  }
0x8c: {  	_ = 	snop  }
0x8d: {  	[hbm4b:s4+s2] =	stream.indirect_vreg.scatter [tilespmem:s15], [sflag:$0x6], $0x80, v3, vm0, $0xb8;
	[tilespmem:$0x18100] =	vst v63  }
0x8e: {  	_ = 	snop  }
0x8f: {  	[hbm4b:s5+s2] =	stream.indirect_vreg.scatter [tilespmem:s16], [sflag:$0x6], $0x80, v3, vm0, $0xb8;
	[tilespmem:$0x18100] =	vst v63  }
0x90: {  	v3 =	vld [tilespmem:$0x90];
	_ =	sdelay $0x4  }
0x91: {  	v53 =	vshrl.u32 v3, $0x3  }
0x92: {  	v4 =	vmul.u32 $0x30, v53  }
0x93: {  	v3 =	vand.u32 $0x7, v3  }
0x94: {  	v3 =	vor.u32 v3, v4  }
0x95: {  	v4 =	vperm.xlane v3, v0;
	_ =	sdelay $0x1  }
0x96: {  	v4 =	vadd.s32 v1, v4;
	_ =	sdelay $0x3  }
0x97: {  	v3 =	vperm.xlane v3, v2  }
0x98: {  	[hbm4b:s3+s2] =	stream.indirect_vreg.scatter [tilespmem:s17], [sflag:$0x6], $0x80, v4, vm0, $0xb8;
	[tilespmem:$0x18100] =	vst v63  }
0x99: {  	v3 =	vadd.s32 v1, v3  }
0x9a: {  	[hbm4b:s4+s2] =	stream.indirect_vreg.scatter [tilespmem:s18], [sflag:$0x6], $0x80, v4, vm0, $0xb8;
	[tilespmem:$0x18100] =	vst v63  }
0x9b: {  	_ = 	snop  }
0x9c: {  	[hbm4b:s5+s2] =	stream.indirect_vreg.scatter [tilespmem:s19], [sflag:$0x6], $0x80, v4, vm0, $0xb8;
	[tilespmem:$0x18100] =	vst v63  }
0x9d: {  	_ = 	snop  }
0x9e: {  	[hbm4b:s3+s2] =	stream.indirect_vreg.scatter [tilespmem:s23], [sflag:$0x6], $0x80, v3, vm0, $0xb8;
	[tilespmem:$0x18100] =	vst v63  }
0x9f: {  	_ = 	snop  }
0xa0: {  	[hbm4b:s4+s2] =	stream.indirect_vreg.scatter [tilespmem:s24], [sflag:$0x6], $0x80, v3, vm0, $0xb8;
	[tilespmem:$0x18100] =	vst v63  }
0xa1: {  	_ = 	snop  }
0xa2: {  	[hbm4b:s5+s2] =	stream.indirect_vreg.scatter [tilespmem:s25], [sflag:$0x6], $0x80, v3, vm0, $0xb8;
	[tilespmem:$0x18100] =	vst v63  }
0xa3: {  	v3 =	vld [tilespmem:$0xA0];
	_ =	sdelay $0x4  }
0xa4: {  	v54 =	vshrl.u32 v3, $0x3  }
0xa5: {  	v4 =	vmul.u32 $0x30, v54  }
0xa6: {  	v3 =	vand.u32 $0x7, v3  }
0xa7: {  	v3 =	vor.u32 v3, v4  }
0xa8: {  	v4 =	vperm.xlane v3, v0;
	_ =	sdelay $0x1  }
0xa9: {  	v4 =	vadd.s32 v1, v4;
	_ =	sdelay $0x3  }
0xaa: {  	v3 =	vperm.xlane v3, v2  }
0xab: {  	[hbm4b:s3+s2] =	stream.indirect_vreg.scatter [tilespmem:s26], [sflag:$0x6], $0x80, v4, vm0, $0xb8;
	[tilespmem:$0x18100] =	vst v63  }
0xac: {  	v3 =	vadd.s32 v1, v3  }
0xad: {  	[hbm4b:s4+s2] =	stream.indirect_vreg.scatter [tilespmem:s28], [sflag:$0x6], $0x80, v4, vm0, $0xb8;
	[tilespmem:$0x18100] =	vst v63  }
0xae: {  	_ = 	snop  }
0xaf: {  	[hbm4b:s5+s2] =	stream.indirect_vreg.scatter [tilespmem:s29], [sflag:$0x6], $0x80, v4, vm0, $0xb8;
	[tilespmem:$0x18100] =	vst v63  }
0xb0: {  	_ = 	snop  }
0xb1: {  	[hbm4b:s3+s2] =	stream.indirect_vreg.scatter [tilespmem:s30], [sflag:$0x6], $0x80, v3, vm0, $0xb8;
	[tilespmem:$0x18100] =	vst v63  }
0xb2: {  	_ = 	snop  }
0xb3: {  	[hbm4b:s4+s2] =	stream.indirect_vreg.scatter [tilespmem:s31], [sflag:$0x6], $0x80, v3, vm0, $0xb8;
	[tilespmem:$0x18100] =	vst v63  }
0xb4: {  	s22 =	simm.s32 $0x14900  }
0xb5: {  	[hbm4b:s5+s2] =	stream.indirect_vreg.scatter [tilespmem:s22], [sflag:$0x6], $0x80, v3, vm0, $0xb8;
	[tilespmem:$0x18100] =	vst v63  }
0xb6: {  	v3 =	vld [tilespmem:$0xB0];
	_ =	sdelay $0x4  }
0xb7: {  	v55 =	vshrl.u32 v3, $0x3  }
0xb8: {  	v4 =	vmul.u32 $0x30, v55  }
0xb9: {  	v3 =	vand.u32 $0x7, v3  }
0xba: {  	v3 =	vor.u32 v3, v4  }
0xbb: {  	v4 =	vperm.xlane v3, v0;
	_ =	sdelay $0x1  }
0xbc: {  	v4 =	vadd.s32 v1, v4;
	_ =	sdelay $0x3  }
0xbd: {  	s22 =	simm.s32 $0x15100;
	v3 =	vperm.xlane v3, v2  }
0xbe: {  	[hbm4b:s3+s2] =	stream.indirect_vreg.scatter [tilespmem:s22], [sflag:$0x6], $0x80, v4, vm0, $0xb8;
	[tilespmem:$0x18100] =	vst v63  }
0xbf: {  	v3 =	vadd.s32 v1, v3;
	s22 =	simm.s32 $0x15900  }
0xc0: {  	[hbm4b:s4+s2] =	stream.indirect_vreg.scatter [tilespmem:s22], [sflag:$0x6], $0x80, v4, vm0, $0xb8;
	[tilespmem:$0x18100] =	vst v63  }
0xc1: {  	s22 =	simm.s32 $0x16100  }
0xc2: {  	[hbm4b:s5+s2] =	stream.indirect_vreg.scatter [tilespmem:s22], [sflag:$0x6], $0x80, v4, vm0, $0xb8;
	[tilespmem:$0x18100] =	vst v63  }
0xc3: {  	s22 =	simm.s32 $0x16900  }
0xc4: {  	[hbm4b:s3+s2] =	stream.indirect_vreg.scatter [tilespmem:s22], [sflag:$0x6], $0x80, v3, vm0, $0xb8;
	[tilespmem:$0x18100] =	vst v63  }
0xc5: {  	s22 =	simm.s32 $0x17100  }
0xc6: {  	[hbm4b:s4+s2] =	stream.indirect_vreg.scatter [tilespmem:s22], [sflag:$0x6], $0x80, v3, vm0, $0xb8;
	[tilespmem:$0x18100] =	vst v63  }
0xc7: {  	s22 =	simm.s32 $0x17900  }
0xc8: {  	[hbm4b:s5+s2] =	stream.indirect_vreg.scatter [tilespmem:s22], [sflag:$0x6], $0x80, v3, vm0, $0xb8;
	[tilespmem:$0x18100] =	vst v63  }
0xc9: {  	_ =	swait.ge [sflag:s7], $0xC000  }
0xca: {  	[sflag:s7] =	ssyncset.done $0x0  }
0xcb: {  	s21 =	rddreg [dreg:$0x9];
	[sflag:s7] =	ssyncadd.s32 $0xFFFF4000  }
0xcc: {  	[tilespmem:s10], [sflag:$0x2] =	stream.linear.gather [hbm4b:s21+s2], $0xC000, $0x38;
	[tilespmem:$0x18100] =	vst v63  }
0xcd: {  	s22 =	rddreg [dreg:$0xa];
	s21 =	simm.s32 $0x80  }
0xce: {  	[tilespmem:s21], [sflag:$0x4] =	stream.linear.gather [hbm4b:s22+s2], $0x40, $0x38;
	[tilespmem:$0x18100] =	vst v63  }
0xcf: {  	_ =	swait.ge [sflag:s11], $0xC000  }
0xd0: {  	[sflag:s11] =	ssyncset.done $0x0  }
0xd1: {  	[sflag:s11] =	ssyncadd.s32 $0xFFFF4000  }
0xd2: {  	_ =	swait.ge [sflag:s13], $0x40  }
0xd3: {  	[sflag:s13] =	ssyncset.done $0x0  }
0xd4: {  	[sflag:s13] =	ssyncadd.s32 $0xFFFFFFC0  }
0xd5: {  	v3 =	vld [tilespmem:$0x0];
	_ =	sdelay $0x4  }
0xd6: {  	v56 =	vshrl.u32 v3, $0x3  }
0xd7: {  	v4 =	vmul.u32 $0x30, v56  }
0xd8: {  	v3 =	vand.u32 $0x7, v3  }
0xd9: {  	v3 =	vor.u32 v3, v4  }
0xda: {  	v4 =	vperm.xlane v3, v0;
	_ =	sdelay $0x1  }
0xdb: {  	v4 =	vadd.s32 v1, v4;
	_ =	sdelay $0x3  }
0xdc: {  	v3 =	vperm.xlane v3, v2  }
0xdd: {  	[hbm4b:s3+s2] =	stream.indirect_vreg.scatter [tilespmem:s8], [sflag:$0x5], $0x80, v4, vm0, $0xb8;
	[tilespmem:$0x18100] =	vst v63  }
0xde: {  	s21 =	simm.s32 $0x900;
	v3 =	vadd.s32 v1, v3  }
0xdf: {  	[hbm4b:s4+s2] =	stream.indirect_vreg.scatter [tilespmem:s21], [sflag:$0x5], $0x80, v4, vm0, $0xb8;
	[tilespmem:$0x18100] =	vst v63  }
0xe0: {  	s22 =	simm.s32 $0x1100  }
0xe1: {  	[hbm4b:s5+s2] =	stream.indirect_vreg.scatter [tilespmem:s22], [sflag:$0x5], $0x80, v4, vm0, $0xb8;
	[tilespmem:$0x18100] =	vst v63  }
0xe2: {  	s21 =	simm.s32 $0x1900  }
0xe3: {  	[hbm4b:s3+s2] =	stream.indirect_vreg.scatter [tilespmem:s21], [sflag:$0x5], $0x80, v3, vm0, $0xb8;
	[tilespmem:$0x18100] =	vst v63  }
0xe4: {  	s22 =	simm.s32 $0x2100  }
0xe5: {  	[hbm4b:s4+s2] =	stream.indirect_vreg.scatter [tilespmem:s22], [sflag:$0x5], $0x80, v3, vm0, $0xb8;
	[tilespmem:$0x18100] =	vst v63  }
0xe6: {  	s21 =	simm.s32 $0x2900  }
0xe7: {  	[hbm4b:s5+s2] =	stream.indirect_vreg.scatter [tilespmem:s21], [sflag:$0x5], $0x80, v3, vm0, $0xb8;
	[tilespmem:$0x18100] =	vst v63  }
0xe8: {  	v3 =	vld [tilespmem:$0x10];
	_ =	sdelay $0x4  }
0xe9: {  	v57 =	vshrl.u32 v3, $0x3  }
0xea: {  	v4 =	vmul.u32 $0x30, v57  }
0xeb: {  	v3 =	vand.u32 $0x7, v3  }
0xec: {  	v3 =	vor.u32 v3, v4  }
0xed: {  	v4 =	vperm.xlane v3, v0;
	_ =	sdelay $0x1  }
0xee: {  	v4 =	vadd.s32 v1, v4;
	_ =	sdelay $0x3  }
0xef: {  	s22 =	simm.s32 $0x3100;
	v3 =	vperm.xlane v3, v2  }
0xf0: {  	[hbm4b:s3+s2] =	stream.indirect_vreg.scatter [tilespmem:s22], [sflag:$0x5], $0x80, v4, vm0, $0xb8;
	[tilespmem:$0x18100] =	vst v63  }
0xf1: {  	s21 =	simm.s32 $0x3900;
	v3 =	vadd.s32 v1, v3  }
0xf2: {  	[hbm4b:s4+s2] =	stream.indirect_vreg.scatter [tilespmem:s21], [sflag:$0x5], $0x80, v4, vm0, $0xb8;
	[tilespmem:$0x18100] =	vst v63  }
0xf3: {  	s22 =	simm.s32 $0x4100  }
0xf4: {  	[hbm4b:s5+s2] =	stream.indirect_vreg.scatter [tilespmem:s22], [sflag:$0x5], $0x80, v4, vm0, $0xb8;
	[tilespmem:$0x18100] =	vst v63  }
0xf5: {  	s21 =	simm.s32 $0x4900  }
0xf6: {  	[hbm4b:s3+s2] =	stream.indirect_vreg.scatter [tilespmem:s21], [sflag:$0x5], $0x80, v3, vm0, $0xb8;
	[tilespmem:$0x18100] =	vst v63  }
0xf7: {  	s22 =	simm.s32 $0x5100  }
0xf8: {  	[hbm4b:s4+s2] =	stream.indirect_vreg.scatter [tilespmem:s22], [sflag:$0x5], $0x80, v3, vm0, $0xb8;
	[tilespmem:$0x18100] =	vst v63  }
0xf9: {  	s21 =	simm.s32 $0x5900  }
0xfa: {  	[hbm4b:s5+s2] =	stream.indirect_vreg.scatter [tilespmem:s21], [sflag:$0x5], $0x80, v3, vm0, $0xb8;
	[tilespmem:$0x18100] =	vst v63  }
0xfb: {  	v3 =	vld [tilespmem:$0x20];
	_ =	sdelay $0x4  }
0xfc: {  	v58 =	vshrl.u32 v3, $0x3  }
0xfd: {  	v4 =	vmul.u32 $0x30, v58  }
0xfe: {  	v3 =	vand.u32 $0x7, v3  }
0xff: {  	v3 =	vor.u32 v3, v4  }
0x100: {  	v4 =	vperm.xlane v3, v0;
	_ =	sdelay $0x1  }
0x101: {  	v4 =	vadd.s32 v1, v4;
	_ =	sdelay $0x3  }
0x102: {  	s22 =	simm.s32 $0x6100;
	v3 =	vperm.xlane v3, v2  }
0x103: {  	[hbm4b:s3+s2] =	stream.indirect_vreg.scatter [tilespmem:s22], [sflag:$0x5], $0x80, v4, vm0, $0xb8;
	[tilespmem:$0x18100] =	vst v63  }
0x104: {  	s21 =	simm.s32 $0x6900;
	v3 =	vadd.s32 v1, v3  }
0x105: {  	[hbm4b:s4+s2] =	stream.indirect_vreg.scatter [tilespmem:s21], [sflag:$0x5], $0x80, v4, vm0, $0xb8;
	[tilespmem:$0x18100] =	vst v63  }
0x106: {  	s22 =	simm.s32 $0x7100  }
0x107: {  	[hbm4b:s5+s2] =	stream.indirect_vreg.scatter [tilespmem:s22], [sflag:$0x5], $0x80, v4, vm0, $0xb8;
	[tilespmem:$0x18100] =	vst v63  }
0x108: {  	s21 =	simm.s32 $0x7900  }
0x109: {  	[hbm4b:s3+s2] =	stream.indirect_vreg.scatter [tilespmem:s21], [sflag:$0x5], $0x80, v3, vm0, $0xb8;
	[tilespmem:$0x18100] =	vst v63  }
0x10a: {  	s22 =	simm.s32 $0x8100  }
0x10b: {  	[hbm4b:s4+s2] =	stream.indirect_vreg.scatter [tilespmem:s22], [sflag:$0x5], $0x80, v3, vm0, $0xb8;
	[tilespmem:$0x18100] =	vst v63  }
0x10c: {  	s21 =	simm.s32 $0x8900  }
0x10d: {  	[hbm4b:s5+s2] =	stream.indirect_vreg.scatter [tilespmem:s21], [sflag:$0x5], $0x80, v3, vm0, $0xb8;
	[tilespmem:$0x18100] =	vst v63  }
0x10e: {  	v3 =	vld [tilespmem:$0x30];
	_ =	sdelay $0x4  }
0x10f: {  	v59 =	vshrl.u32 v3, $0x3  }
0x110: {  	v4 =	vmul.u32 $0x30, v59  }
0x111: {  	v3 =	vand.u32 $0x7, v3  }
0x112: {  	v3 =	vor.u32 v3, v4  }
0x113: {  	v4 =	vperm.xlane v3, v0;
	_ =	sdelay $0x1  }
0x114: {  	v4 =	vadd.s32 v1, v4;
	_ =	sdelay $0x3  }
0x115: {  	s22 =	simm.s32 $0x9100;
	v3 =	vperm.xlane v3, v2  }
0x116: {  	[hbm4b:s3+s2] =	stream.indirect_vreg.scatter [tilespmem:s22], [sflag:$0x5], $0x80, v4, vm0, $0xb8;
	[tilespmem:$0x18100] =	vst v63  }
0x117: {  	s21 =	simm.s32 $0x9900;
	v3 =	vadd.s32 v1, v3  }
0x118: {  	[hbm4b:s4+s2] =	stream.indirect_vreg.scatter [tilespmem:s21], [sflag:$0x5], $0x80, v4, vm0, $0xb8;
	[tilespmem:$0x18100] =	vst v63  }
0x119: {  	s22 =	simm.s32 $0xA100  }
0x11a: {  	[hbm4b:s5+s2] =	stream.indirect_vreg.scatter [tilespmem:s22], [sflag:$0x5], $0x80, v4, vm0, $0xb8;
	[tilespmem:$0x18100] =	vst v63  }
0x11b: {  	s21 =	simm.s32 $0xA900  }
0x11c: {  	[hbm4b:s3+s2] =	stream.indirect_vreg.scatter [tilespmem:s21], [sflag:$0x5], $0x80, v3, vm0, $0xb8;
	[tilespmem:$0x18100] =	vst v63  }
0x11d: {  	s22 =	simm.s32 $0xB100  }
0x11e: {  	[hbm4b:s4+s2] =	stream.indirect_vreg.scatter [tilespmem:s22], [sflag:$0x5], $0x80, v3, vm0, $0xb8;
	[tilespmem:$0x18100] =	vst v63  }
0x11f: {  	s21 =	simm.s32 $0xB900  }
0x120: {  	[hbm4b:s5+s2] =	stream.indirect_vreg.scatter [tilespmem:s21], [sflag:$0x5], $0x80, v3, vm0, $0xb8;
	[tilespmem:$0x18100] =	vst v63  }
0x121: {  	_ =	swait.ge [sflag:s20], $0xC000  }
0x122: {  	[sflag:s20] =	ssyncset.done $0x0  }
0x123: {  	[sflag:s20] =	ssyncadd.s32 $0xFFFF4000  }
0x124: {  	_ =	swait.ge [sflag:s1], $0x40  }
0x125: {  	[sflag:s1] =	ssyncset.done $0x0  }
0x126: {  	[sflag:s1] =	ssyncadd.s32 $0xFFFFFFC0  }
0x127: {  	v3 =	vld [tilespmem:$0x80];
	_ =	sdelay $0x4  }
0x128: {  	v60 =	vshrl.u32 v3, $0x3  }
0x129: {  	v4 =	vmul.u32 $0x30, v60  }
0x12a: {  	v3 =	vand.u32 $0x7, v3  }
0x12b: {  	v3 =	vor.u32 v3, v4  }
0x12c: {  	v4 =	vperm.xlane v3, v0;
	_ =	sdelay $0x1  }
0x12d: {  	v4 =	vadd.s32 v1, v4;
	_ =	sdelay $0x3  }
0x12e: {  	v3 =	vperm.xlane v3, v2  }
0x12f: {  	[hbm4b:s3+s2] =	stream.indirect_vreg.scatter [tilespmem:s10], [sflag:$0x6], $0x80, v4, vm0, $0xb8;
	[tilespmem:$0x18100] =	vst v63  }
0x130: {  	v3 =	vadd.s32 v1, v3  }
0x131: {  	[hbm4b:s4+s2] =	stream.indirect_vreg.scatter [tilespmem:s9], [sflag:$0x6], $0x80, v4, vm0, $0xb8;
	[tilespmem:$0x18100] =	vst v63  }
0x132: {  	_ = 	snop  }
0x133: {  	[hbm4b:s5+s2] =	stream.indirect_vreg.scatter [tilespmem:s12], [sflag:$0x6], $0x80, v4, vm0, $0xb8;
	[tilespmem:$0x18100] =	vst v63  }
0x134: {  	_ = 	snop  }
0x135: {  	[hbm4b:s3+s2] =	stream.indirect_vreg.scatter [tilespmem:s14], [sflag:$0x6], $0x80, v3, vm0, $0xb8;
	[tilespmem:$0x18100] =	vst v63  }
0x136: {  	_ = 	snop  }
0x137: {  	[hbm4b:s4+s2] =	stream.indirect_vreg.scatter [tilespmem:s15], [sflag:$0x6], $0x80, v3, vm0, $0xb8;
	[tilespmem:$0x18100] =	vst v63  }
0x138: {  	_ = 	snop  }
0x139: {  	[hbm4b:s5+s2] =	stream.indirect_vreg.scatter [tilespmem:s16], [sflag:$0x6], $0x80, v3, vm0, $0xb8;
	[tilespmem:$0x18100] =	vst v63  }
0x13a: {  	v3 =	vld [tilespmem:$0x90];
	_ =	sdelay $0x4  }
0x13b: {  	v61 =	vshrl.u32 v3, $0x3  }
0x13c: {  	v4 =	vmul.u32 $0x30, v61  }
0x13d: {  	v3 =	vand.u32 $0x7, v3  }
0x13e: {  	v3 =	vor.u32 v3, v4  }
0x13f: {  	v4 =	vperm.xlane v3, v0;
	_ =	sdelay $0x1  }
0x140: {  	v4 =	vadd.s32 v1, v4;
	_ =	sdelay $0x3  }
0x141: {  	v3 =	vperm.xlane v3, v2  }
0x142: {  	[hbm4b:s3+s2] =	stream.indirect_vreg.scatter [tilespmem:s17], [sflag:$0x6], $0x80, v4, vm0, $0xb8;
	[tilespmem:$0x18100] =	vst v63  }
0x143: {  	v3 =	vadd.s32 v1, v3  }
0x144: {  	[hbm4b:s4+s2] =	stream.indirect_vreg.scatter [tilespmem:s18], [sflag:$0x6], $0x80, v4, vm0, $0xb8;
	[tilespmem:$0x18100] =	vst v63  }
0x145: {  	_ = 	snop  }
0x146: {  	[hbm4b:s5+s2] =	stream.indirect_vreg.scatter [tilespmem:s19], [sflag:$0x6], $0x80, v4, vm0, $0xb8;
	[tilespmem:$0x18100] =	vst v63  }
0x147: {  	_ = 	snop  }
0x148: {  	[hbm4b:s3+s2] =	stream.indirect_vreg.scatter [tilespmem:s23], [sflag:$0x6], $0x80, v3, vm0, $0xb8;
	[tilespmem:$0x18100] =	vst v63  }
0x149: {  	_ = 	snop  }
0x14a: {  	[hbm4b:s4+s2] =	stream.indirect_vreg.scatter [tilespmem:s24], [sflag:$0x6], $0x80, v3, vm0, $0xb8;
	[tilespmem:$0x18100] =	vst v63  }
0x14b: {  	_ = 	snop  }
0x14c: {  	[hbm4b:s5+s2] =	stream.indirect_vreg.scatter [tilespmem:s25], [sflag:$0x6], $0x80, v3, vm0, $0xb8;
	[tilespmem:$0x18100] =	vst v63  }
0x14d: {  	v3 =	vld [tilespmem:$0xA0];
	_ =	sdelay $0x4  }
0x14e: {  	v62 =	vshrl.u32 v3, $0x3  }
0x14f: {  	v4 =	vmul.u32 $0x30, v62  }
0x150: {  	v3 =	vand.u32 $0x7, v3  }
0x151: {  	v3 =	vor.u32 v3, v4  }
0x152: {  	v4 =	vperm.xlane v3, v0;
	_ =	sdelay $0x1  }
0x153: {  	v4 =	vadd.s32 v1, v4;
	_ =	sdelay $0x3  }
0x154: {  	v3 =	vperm.xlane v3, v2  }
0x155: {  	[hbm4b:s3+s2] =	stream.indirect_vreg.scatter [tilespmem:s26], [sflag:$0x6], $0x80, v4, vm0, $0xb8;
	[tilespmem:$0x18100] =	vst v63  }
0x156: {  	v3 =	vadd.s32 v1, v3  }
0x157: {  	[hbm4b:s4+s2] =	stream.indirect_vreg.scatter [tilespmem:s28], [sflag:$0x6], $0x80, v4, vm0, $0xb8;
	[tilespmem:$0x18100] =	vst v63  }
0x158: {  	_ = 	snop  }
0x159: {  	[hbm4b:s5+s2] =	stream.indirect_vreg.scatter [tilespmem:s29], [sflag:$0x6], $0x80, v4, vm0, $0xb8;
	[tilespmem:$0x18100] =	vst v63  }
0x15a: {  	_ = 	snop  }
0x15b: {  	[hbm4b:s3+s2] =	stream.indirect_vreg.scatter [tilespmem:s30], [sflag:$0x6], $0x80, v3, vm0, $0xb8;
	[tilespmem:$0x18100] =	vst v63  }
0x15c: {  	_ = 	snop  }
0x15d: {  	[hbm4b:s4+s2] =	stream.indirect_vreg.scatter [tilespmem:s31], [sflag:$0x6], $0x80, v3, vm0, $0xb8;
	[tilespmem:$0x18100] =	vst v63  }
0x15e: {  	s22 =	simm.s32 $0x14900  }
0x15f: {  	[hbm4b:s5+s2] =	stream.indirect_vreg.scatter [tilespmem:s22], [sflag:$0x6], $0x80, v3, vm0, $0xb8;
	[tilespmem:$0x18100] =	vst v63  }
0x160: {  	v3 =	vld [tilespmem:$0xB0];
	_ =	sdelay $0x4  }
0x161: {  	v63 =	vshrl.u32 v3, $0x3  }
0x162: {  	v4 =	vmul.u32 $0x30, v63  }
0x163: {  	v3 =	vand.u32 $0x7, v3  }
0x164: {  	v3 =	vor.u32 v3, v4  }
0x165: {  	v4 =	vperm.xlane v3, v0;
	_ =	sdelay $0x1  }
0x166: {  	v4 =	vadd.s32 v1, v4;
	_ =	sdelay $0x3  }
0x167: {  	s8 =	simm.s32 $0x15100;
	v3 =	vperm.xlane v3, v2  }
0x168: {  	[hbm4b:s3+s2] =	stream.indirect_vreg.scatter [tilespmem:s8], [sflag:$0x6], $0x80, v4, vm0, $0xb8;
	[tilespmem:$0x18100] =	vst v63  }
0x169: {  	s21 =	simm.s32 $0x15900;
	v3 =	vadd.s32 v1, v3  }
0x16a: {  	[hbm4b:s4+s2] =	stream.indirect_vreg.scatter [tilespmem:s21], [sflag:$0x6], $0x80, v4, vm0, $0xb8;
	[tilespmem:$0x18100] =	vst v63  }
0x16b: {  	s22 =	simm.s32 $0x16100  }
0x16c: {  	[hbm4b:s5+s2] =	stream.indirect_vreg.scatter [tilespmem:s22], [sflag:$0x6], $0x80, v4, vm0, $0xb8;
	[tilespmem:$0x18100] =	vst v63  }
0x16d: {  	s8 =	simm.s32 $0x16900  }
0x16e: {  	[hbm4b:s3+s2] =	stream.indirect_vreg.scatter [tilespmem:s8], [sflag:$0x6], $0x80, v3, vm0, $0xb8;
	[tilespmem:$0x18100] =	vst v63  }
0x16f: {  	s21 =	simm.s32 $0x17100  }
0x170: {  	[hbm4b:s4+s2] =	stream.indirect_vreg.scatter [tilespmem:s21], [sflag:$0x6], $0x80, v3, vm0, $0xb8;
	[tilespmem:$0x18100] =	vst v63  }
0x171: {  	s22 =	simm.s32 $0x17900  }
0x172: {  	[hbm4b:s5+s2] =	stream.indirect_vreg.scatter [tilespmem:s22], [sflag:$0x6], $0x80, v3, vm0, $0xb8;
	[tilespmem:$0x18100] =	vst v63  }
0x173: {  	p0 =	sne.s32 s6, $0x1;
	_ =	swait.ge [sflag:s0], $0xC000  }
.Ltmp0:
0x174: {  	[sflag:s0] =	ssyncset.done $0x0;
	(pc) =	sbr.rel @p0 .LBB2_1-.Ltmp0, $4  }
0x175: {  	[sflag:s0] =	ssyncadd.s32 $0xFFFF4000  }
0x176: {  	_ =	swait.ge [sflag:s7], $0xC000  }
0x177: {  	[sflag:s7] =	ssyncset.done $0x0  }
0x178: {  	s6 =	sadd.s32 $0xFFFFFFFF, s6;
	[sflag:s7] =	ssyncadd.s32 $0xFFFF4000  }
0x179: {  	_ =	sfence.sel $0x180000  }
0x17a: {  	[bflag:$0x0] =	sbarrier.arrive $0xFFFF  }
0x17b: {  	_ =	strace $0x90000047  }
0x17c: {  	s0 =	stileid.u32;
	[bflag:$0x2] =	sbarrier.arrive $0xFFFF  }
0x17d: {  	p0 =	sne.s32 s0, $0x0;
	s0 =	rddreg [dreg:$0x2]  }
0x17e: {  	s0 =	sadd.s32 @!p0 $0x100000, s0  }
0x17f: {  	[sflag:s0] =	ssyncadd.tile.s32 @!p0 $0x1;
	_ =	shalt  }
.Lfunc_end2:
_tile_overlayer_lowered:
.L_overlay_start_2:
0x180: {  	(tag) =	ssettag $0x2  }
0x181: {  	s0 =	rddreg [dreg:$0x0];
	s2 =	stileid.u32  }
0x182: {  	s1 =	rddreg [dreg:$0x1];
	p0 =	sne.s32 s2, $0x0  }
0x183: {  	s3 =	rddreg [dreg:$0x2];
	[bflag:$0x3] =	sbarrier.arrive $0xFFFF;
	s2 =	simm.s32 @!p0 $0x1C07  }
0x184: {  	[timem:s3], [sflag:s2] =	dma.local @!p0 [hbm:s0], s1  }
0x185: {  	s0 =	simm.s32 @!p0 $0x7  }
0x186: {  	_ =	swait.ge @!p0 [sflag:s0], s1  }
0x187: {  	s1 =	ssub.s32 @!p0 $0x0, s1;
	[sflag:s0] =	ssyncset.done @!p0 $0x0  }
0x188: {  	[sflag:s0] =	ssyncadd.s32 @!p0 s1  }
0x189: {  	[bflag:$0x3] =	sbarrier.arrive $0xFFFF  }
0x18a: {  	_ =	shalt  }

</sc_bundles>
